<compile_context>
chip_gen: v7x
topology: tpu7x:2x2x1
jax: 0.10.2.dev20260603
libtpu: 0.0.44.dev20260713+nightly
codegen_flags: <defaults>
</compile_context>

<pallas_src>
import dataclasses
import functools

import jax
import jax.numpy as jnp
from jax import lax
from jax.experimental import pallas as pl
from jax.experimental.pallas import tpu as pltpu
from jax.experimental.pallas import tpu_sc as plsc

_HIDDEN = 64
_GAMMA = 12.0
_LANES = 16
_NUM_CORES = 2
_NUM_SUBCORES = 16
_NUM_WORKERS = _NUM_CORES * _NUM_SUBCORES
_IDX_COLS = 128
_HALF = 256


@functools.partial(jax.jit, static_argnames=("batch",))
def _score(batch, sample_t, ent_p, rel_p):
    split = ent_p.shape[0]
    bpw = batch // _NUM_WORKERS
    rows_pw = bpw // _IDX_COLS
    n_half = bpw // _HALF
    rows_ph = _HALF // _IDX_COLS
    groups = _HALF // _LANES
    mesh = plsc.VectorSubcoreMesh(core_axis_name="c", subcore_axis_name="s")
    cp = pltpu.CompilerParams()
    if "needs_layout_passes" in pltpu.CompilerParams.__dataclass_fields__:
        cp = dataclasses.replace(cp, needs_layout_passes=False)

    @functools.partial(
        pl.kernel,
        out_type=jax.ShapeDtypeStruct((batch,), jnp.float32),
        mesh=mesh,
        compiler_params=cp,
        scratch_types=[
            pltpu.VMEM((3, bpw), jnp.int32),
            pltpu.VMEM((rows_pw, _IDX_COLS), jnp.int32),
            pltpu.VMEM((rows_pw, _IDX_COLS), jnp.int32),
            pltpu.VMEM((rows_pw, _IDX_COLS), jnp.int32),
            pltpu.VMEM((rows_pw, _IDX_COLS), jnp.int32),
            pltpu.VMEM((rows_pw, _IDX_COLS), jnp.int32),
            pltpu.VMEM((rows_pw, _IDX_COLS), jnp.int32),
            pltpu.VMEM((_HALF, 2 * _HIDDEN), jnp.float32),
            pltpu.VMEM((_HALF, 2 * _HIDDEN), jnp.float32),
            pltpu.VMEM((_HALF, 2 * _HIDDEN), jnp.float32),
            pltpu.VMEM((bpw,), jnp.float32),
            pltpu.SemaphoreType.DMA,
        ],
    )
    def k(ent_hbm, rel_hbm, s_hbm, out_hbm,
          s_v, hp_v, rp_v, tp_v, hh_v, rh_v, th_v, h_v, r_v, t_v, o_v,
          sem):
        wid = lax.axis_index("s") * _NUM_CORES + lax.axis_index("c")
        tri_iota = lax.broadcasted_iota(jnp.int32, (_LANES,), 0)

        pltpu.sync_copy(s_hbm.at[:, pl.ds(wid * bpw, bpw)], s_v)

        @pl.loop(0, rows_pw * (_IDX_COLS // _LANES))
        def _(m):
            irow = m >> 3
            icol = (m & 7) * _LANES
            sl = pl.ds(m * _LANES, _LANES)
            dsl = pl.ds(icol, _LANES)
            hv = s_v[0, sl]
            rv = s_v[1, sl]
            tv = s_v[2, sl]
            hp_v[irow, dsl] = jnp.where(hv < split, hv, hv - split)
            hh_v[irow, dsl] = jnp.where(hv < split, 0, _HIDDEN)
            rp_v[irow, dsl] = jnp.where(rv < split, rv, rv - split)
            rh_v[irow, dsl] = jnp.where(rv < split, 0, _HIDDEN)
            tp_v[irow, dsl] = jnp.where(tv < split, tv, tv - split)
            th_v[irow, dsl] = jnp.where(tv < split, 0, _HIDDEN)

        @pl.loop(0, n_half)
        def _(half):
            irow0 = half * rows_ph
            copies = []
            for cr in range(rows_ph):
                dst = pl.ds(cr * _IDX_COLS, _IDX_COLS)
                copies.append(pltpu.async_copy(
                    ent_hbm.at[hp_v.at[irow0 + cr]], h_v.at[dst], sem))
                copies.append(pltpu.async_copy(
                    rel_hbm.at[rp_v.at[irow0 + cr]], r_v.at[dst], sem))
                copies.append(pltpu.async_copy(
                    ent_hbm.at[tp_v.at[irow0 + cr]], t_v.at[dst], sem))
            for cpy in copies:
                cpy.wait()

            @pl.loop(0, groups)
            def _(g):
                irow = irow0 + (g >> 3)
                icol0 = (g & 7) * _LANES
                rows16 = g * _LANES + tri_iota
                col_h = hh_v[irow, pl.ds(icol0, _LANES)]
                col_r = rh_v[irow, pl.ds(icol0, _LANES)]
                col_t = th_v[irow, pl.ds(icol0, _LANES)]
                accs = [jnp.zeros((_LANES,), jnp.float32) for _ in range(4)]
                for j in range(_HIDDEN):
                    hj = plsc.load_gather(h_v, [rows16, col_h + j])
                    rj = plsc.load_gather(r_v, [rows16, col_r + j])
                    tj = plsc.load_gather(t_v, [rows16, col_t + j])
                    accs[j & 3] = accs[j & 3] + jnp.abs(hj + rj - tj)
                acc = (accs[0] + accs[1]) + (accs[2] + accs[3])
                o_v[pl.ds(half * _HALF + g * _LANES, _LANES)] = _GAMMA - acc

        pltpu.sync_copy(o_v, out_hbm.at[pl.ds(wid * bpw, bpw)])

    return k(ent_p, rel_p, sample_t)


def _repack_tc(ent_t, rel_t):
    dim, n = ent_t.shape
    be = 2048
    split = 524288
    grid = split // be
    last = (n + be - 1) // be - 1

    def body(ea_ref, eb_ref, ra_ref, rb_ref, eout_ref, rout_ref):
        eout_ref[:, 0:dim] = jnp.swapaxes(ea_ref[...], 0, 1)
        rout_ref[:, 0:dim] = jnp.swapaxes(ra_ref[...], 0, 1)
        eout_ref[:, dim:2 * dim] = jnp.swapaxes(eb_ref[...], 0, 1)
        rout_ref[:, dim:2 * dim] = jnp.swapaxes(rb_ref[...], 0, 1)

    lo_spec = pl.BlockSpec((dim, be), lambda i: (0, i))
    hi_spec = pl.BlockSpec((dim, be),
                           lambda i: (0, jnp.minimum(i + grid, last)))
    out_spec = pl.BlockSpec((be, 2 * dim), lambda i: (i, 0))
    out_sds = jax.ShapeDtypeStruct((split, 2 * dim), jnp.float32)
    return pl.pallas_call(
        body,
        grid=(grid,),
        in_specs=[lo_spec, hi_spec, lo_spec, hi_spec],
        out_specs=[out_spec, out_spec],
        out_shape=[out_sds, out_sds],
    )(ent_t, ent_t, rel_t, rel_t)


def kernel(sample, entity_embedding, relation_embedding):
    batch = sample.shape[0]
    ent_p, rel_p = _repack_tc(entity_embedding.T, relation_embedding.T)
    score = _score(batch, sample.T, ent_p, rel_p)
    return score.reshape(batch, 1)

# --- scband reference (transcript-rebuilt; emitter-appended) ---
"""Pipeline reference for scband-kgemodel-41918880809142 (READ-ONLY COPY).

The authoritative reference and input builder live on the scoring server;
editing this copy changes nothing except your own understanding.
"""

import jax, jax.numpy as jnp
import numpy as np

NENTITY = 1000000
NRELATION = 1000000
HIDDEN_DIM = 64
GAMMA = 12.0
EPSILON = 2.0
EMB_RANGE = (GAMMA + EPSILON) / HIDDEN_DIM
BATCH = 16384


def setup_inputs(seed: int = 0) -> dict:
    key = jax.random.key(seed)
    k1, k2, k3 = jax.random.split(key, 3)
    sample = jax.random.randint(k1, (BATCH, 3), 0, NENTITY)
    entity_embedding = jax.random.uniform(
        k2, (NENTITY, HIDDEN_DIM), minval=-EMB_RANGE, maxval=EMB_RANGE, dtype=jnp.float32)
    relation_embedding = jax.random.uniform(
        k3, (NRELATION, HIDDEN_DIM), minval=-EMB_RANGE, maxval=EMB_RANGE, dtype=jnp.float32)
    return {
        "sample": sample,
        "entity_embedding": entity_embedding,
        "relation_embedding": relation_embedding,
    }


def reference(sample, entity_embedding, relation_embedding):
    # KGEModel.forward with mode='single', model_name='TransE'
    head = jnp.take(entity_embedding, sample[:, 0], axis=0)[:, None, :]
    relation = jnp.take(relation_embedding, sample[:, 1], axis=0)[:, None, :]
    tail = jnp.take(entity_embedding, sample[:, 2], axis=0)[:, None, :]
    # TransE score: gamma - || h + r - t ||_1  along embedding dim
    score = head + relation - tail
    score = GAMMA - jnp.sum(jnp.abs(score), axis=2)
    return score  # [BATCH, 1]

if __name__ == "__main__":
    import jax
    _d = setup_inputs()
    print(jax.jit(kernel)(*tuple(_d.values())))

</pallas_src>

<mosaic_0001>
#map = affine_map<(d0, d1) -> (0, 0)>
#map1 = affine_map<(d0, d1) -> (0)>
module attributes {stable_mosaic.version = 14 : i64} {
  func.func @k(%arg0: i32, %arg1: i32, %arg2: memref<524288x128xf32, #tpu.memory_space<hbm>>, %arg3: memref<524288x128xf32, #tpu.memory_space<hbm>>, %arg4: memref<3x16384xi32, #tpu.memory_space<hbm>>, %arg5: memref<16384xf32, #tpu.memory_space<hbm>>, %arg6: memref<3x512xi32, #tpu.memory_space<vmem>>, %arg7: memref<4x128xi32, #tpu.memory_space<vmem>>, %arg8: memref<4x128xi32, #tpu.memory_space<vmem>>, %arg9: memref<4x128xi32, #tpu.memory_space<vmem>>, %arg10: memref<4x128xi32, #tpu.memory_space<vmem>>, %arg11: memref<4x128xi32, #tpu.memory_space<vmem>>, %arg12: memref<4x128xi32, #tpu.memory_space<vmem>>, %arg13: memref<256x128xf32, #tpu.memory_space<vmem>>, %arg14: memref<256x128xf32, #tpu.memory_space<vmem>>, %arg15: memref<256x128xf32, #tpu.memory_space<vmem>>, %arg16: memref<512xf32, #tpu.memory_space<vmem>>, %arg17: memref<!tpu.dma_semaphore, #tpu.memory_space<semaphore_mem>>) attributes {dimension_semantics = [#tpu.dimension_semantics<core_parallel>, #tpu.dimension_semantics<subcore_parallel>], iteration_bounds = array<i64: 2, 16>, scalar_prefetch = 0 : i64, scratch_operands = 12 : i64, tpu.core_type = #tpu.core_type<sc_vector_subcore>, window_params = [{transform_indices = #map}, {transform_indices = #map}, {transform_indices = #map}, {transform_indices = #map1}]} {
    %mul3A = arith.constant 2 : i32
    %mul3A_0 = arith.muli %arg1, %mul3A : i32
    %add3A = arith.addi %mul3A_0, %arg0 : i32
    %iota3A = tpu.iota {dimensions = array<i32: 0>} : vector<16xi32>
    %mul3A_1 = arith.constant 512 : i32
    %mul3A_2 = arith.muli %add3A, %mul3A_1 : i32
    "tpu.region"() ({
      %run_scoped3A = tpu.sem_alloc : memref<!tpu.dma_semaphore, #tpu.memory_space<semaphore_mem>>
      %dma_start3A = arith.constant 0 : i32
      %dma_start3A_14 = tpu.memref_slice %arg4[%dma_start3A, %mul3A_2] : memref<3x16384xi32, #tpu.memory_space<hbm>> -> memref<3x512xi32, #tpu.memory_space<hbm>>
      %dma_start3A_15 = arith.constant 0 : i32
      %dma_start3A_16 = tpu.memref_slice %arg4[%dma_start3A_15, %mul3A_2] : memref<3x16384xi32, #tpu.memory_space<hbm>> -> memref<3x512xi32, #tpu.memory_space<hbm>>
      tpu.enqueue_dma source(%dma_start3A_16 : memref<3x512xi32, #tpu.memory_space<hbm>>) target(%arg6 : memref<3x512xi32, #tpu.memory_space<vmem>>) target_semaphore(%run_scoped3A : memref<!tpu.dma_semaphore, #tpu.memory_space<semaphore_mem>>)
      %dma_wait3A = arith.constant 0 : i32
      %dma_wait3A_17 = tpu.memref_slice %arg4[%dma_wait3A, %mul3A_2] : memref<3x16384xi32, #tpu.memory_space<hbm>> -> memref<3x512xi32, #tpu.memory_space<hbm>>
      %dma_wait3A_18 = arith.constant 0 : i32
      %dma_wait3A_19 = tpu.memref_slice %arg4[%dma_wait3A_18, %mul3A_2] : memref<3x16384xi32, #tpu.memory_space<hbm>> -> memref<3x512xi32, #tpu.memory_space<hbm>>
      tpu.wait_dma2 semaphore(%run_scoped3A : memref<!tpu.dma_semaphore, #tpu.memory_space<semaphore_mem>>) src(%dma_wait3A_19 : memref<3x512xi32, #tpu.memory_space<hbm>>) dst(%arg6 : memref<3x512xi32, #tpu.memory_space<vmem>>)
      tpu.yield
    }) : () -> ()
    %scan3A = arith.constant 0 : i32
    %scan3A_3 = arith.constant 32 : i32
    %scan3A_4 = arith.addi %scan3A, %scan3A_3 : i32
    %scan3A_5 = arith.constant 1 : i32
    scf.for %scan3A_14 = %scan3A to %scan3A_4 step %scan3A_5  : i32 {
      %mul3A_15 = arith.constant 1 : i32
      %mul3A_16 = arith.muli %scan3A_14, %mul3A_15 : i32
      %add3A_17 = arith.constant 0 : i32
      %add3A_18 = arith.addi %add3A_17, %mul3A_16 : i32
      %shift_right_arithmetic3A = arith.constant 3 : i32
      %shift_right_arithmetic3A_19 = arith.shrsi %add3A_18, %shift_right_arithmetic3A : i32
      %and3A = arith.constant 7 : i32
      %and3A_20 = arith.andi %add3A_18, %and3A : i32
      %mul3A_21 = arith.constant 16 : i32
      %mul3A_22 = arith.muli %and3A_20, %mul3A_21 : i32
      %mul3A_23 = arith.constant 16 : i32
      %mul3A_24 = arith.muli %add3A_18, %mul3A_23 : i32
      %get3A = arith.constant 0 : i32
      %get3A_25 = arith.index_cast %get3A : i32 to index
      %get3A_26 = arith.index_cast %mul3A_24 : i32 to index
      %get3A_27 = tpu.vector_load %arg6[%get3A_25, %get3A_26] {strides = array<i32>} : memref<3x512xi32, #tpu.memory_space<vmem>>, vector<16xi32>,
      %get3A_28 = arith.constant 1 : i32
      %get3A_29 = arith.index_cast %get3A_28 : i32 to index
      %get3A_30 = arith.index_cast %mul3A_24 : i32 to index
      %get3A_31 = tpu.vector_load %arg6[%get3A_29, %get3A_30] {strides = array<i32>} : memref<3x512xi32, #tpu.memory_space<vmem>>, vector<16xi32>,
      %get3A_32 = arith.constant 2 : i32
      %get3A_33 = arith.index_cast %get3A_32 : i32 to index
      %get3A_34 = arith.index_cast %mul3A_24 : i32 to index
      %get3A_35 = tpu.vector_load %arg6[%get3A_33, %get3A_34] {strides = array<i32>} : memref<3x512xi32, #tpu.memory_space<vmem>>, vector<16xi32>,
      %lt3A = arith.constant 524288 : i32
      %lt3A_36 = vector.broadcast %lt3A : i32 to vector<16xi32>
      %lt3A_37 = arith.cmpi slt, %get3A_27, %lt3A_36 : vector<16xi32>
      %sub3A = arith.constant 524288 : i32
      %sub3A_38 = vector.broadcast %sub3A : i32 to vector<16xi32>
      %sub3A_39 = arith.subi %get3A_27, %sub3A_38 : vector<16xi32>
      %select_n3A = arith.select %lt3A_37, %get3A_27, %sub3A_39 : vector<16xi1>, vector<16xi32>
      %swap3A = arith.index_cast %shift_right_arithmetic3A_19 : i32 to index
      %swap3A_40 = arith.index_cast %mul3A_22 : i32 to index
      %swap3A_41 = tpu.vector_load %arg7[%swap3A, %swap3A_40] {strides = array<i32>} : memref<4x128xi32, #tpu.memory_space<vmem>>, vector<16xi32>,
      tpu.vector_store %arg7[%swap3A, %swap3A_40], %select_n3A {strides = array<i32>} : memref<4x128xi32, #tpu.memory_space<vmem>>, vector<16xi32>,
      %lt3A_42 = arith.constant 524288 : i32
      %lt3A_43 = vector.broadcast %lt3A_42 : i32 to vector<16xi32>
      %lt3A_44 = arith.cmpi slt, %get3A_27, %lt3A_43 : vector<16xi32>
      %jit3A = arith.constant 0 : i32
      %jit3A_45 = arith.constant 64 : i32
      %broadcast_in_dim3A = vector.broadcast %jit3A : i32 to vector<16xi32>
      %broadcast_in_dim3A_46 = vector.broadcast %jit3A_45 : i32 to vector<16xi32>
      %select_n3A_47 = arith.select %lt3A_44, %broadcast_in_dim3A, %broadcast_in_dim3A_46 : vector<16xi1>, vector<16xi32>
      %swap3A_48 = arith.index_cast %shift_right_arithmetic3A_19 : i32 to index
      %swap3A_49 = arith.index_cast %mul3A_22 : i32 to index
      %swap3A_50 = tpu.vector_load %arg10[%swap3A_48, %swap3A_49] {strides = array<i32>} : memref<4x128xi32, #tpu.memory_space<vmem>>, vector<16xi32>,
      tpu.vector_store %arg10[%swap3A_48, %swap3A_49], %select_n3A_47 {strides = array<i32>} : memref<4x128xi32, #tpu.memory_space<vmem>>, vector<16xi32>,
      %lt3A_51 = arith.constant 524288 : i32
      %lt3A_52 = vector.broadcast %lt3A_51 : i32 to vector<16xi32>
      %lt3A_53 = arith.cmpi slt, %get3A_31, %lt3A_52 : vector<16xi32>
      %sub3A_54 = arith.constant 524288 : i32
      %sub3A_55 = vector.broadcast %sub3A_54 : i32 to vector<16xi32>
      %sub3A_56 = arith.subi %get3A_31, %sub3A_55 : vector<16xi32>
      %select_n3A_57 = arith.select %lt3A_53, %get3A_31, %sub3A_56 : vector<16xi1>, vector<16xi32>
      %swap3A_58 = arith.index_cast %shift_right_arithmetic3A_19 : i32 to index
      %swap3A_59 = arith.index_cast %mul3A_22 : i32 to index
      %swap3A_60 = tpu.vector_load %arg8[%swap3A_58, %swap3A_59] {strides = array<i32>} : memref<4x128xi32, #tpu.memory_space<vmem>>, vector<16xi32>,
      tpu.vector_store %arg8[%swap3A_58, %swap3A_59], %select_n3A_57 {strides = array<i32>} : memref<4x128xi32, #tpu.memory_space<vmem>>, vector<16xi32>,
      %lt3A_61 = arith.constant 524288 : i32
      %lt3A_62 = vector.broadcast %lt3A_61 : i32 to vector<16xi32>
      %lt3A_63 = arith.cmpi slt, %get3A_31, %lt3A_62 : vector<16xi32>
      %jit3A_64 = arith.constant 0 : i32
      %jit3A_65 = arith.constant 64 : i32
      %broadcast_in_dim3A_66 = vector.broadcast %jit3A_64 : i32 to vector<16xi32>
      %broadcast_in_dim3A_67 = vector.broadcast %jit3A_65 : i32 to vector<16xi32>
      %select_n3A_68 = arith.select %lt3A_63, %broadcast_in_dim3A_66, %broadcast_in_dim3A_67 : vector<16xi1>, vector<16xi32>
      %swap3A_69 = arith.index_cast %shift_right_arithmetic3A_19 : i32 to index
      %swap3A_70 = arith.index_cast %mul3A_22 : i32 to index
      %swap3A_71 = tpu.vector_load %arg11[%swap3A_69, %swap3A_70] {strides = array<i32>} : memref<4x128xi32, #tpu.memory_space<vmem>>, vector<16xi32>,
      tpu.vector_store %arg11[%swap3A_69, %swap3A_70], %select_n3A_68 {strides = array<i32>} : memref<4x128xi32, #tpu.memory_space<vmem>>, vector<16xi32>,
      %lt3A_72 = arith.constant 524288 : i32
      %lt3A_73 = vector.broadcast %lt3A_72 : i32 to vector<16xi32>
      %lt3A_74 = arith.cmpi slt, %get3A_35, %lt3A_73 : vector<16xi32>
      %sub3A_75 = arith.constant 524288 : i32
      %sub3A_76 = vector.broadcast %sub3A_75 : i32 to vector<16xi32>
      %sub3A_77 = arith.subi %get3A_35, %sub3A_76 : vector<16xi32>
      %select_n3A_78 = arith.select %lt3A_74, %get3A_35, %sub3A_77 : vector<16xi1>, vector<16xi32>
      %swap3A_79 = arith.index_cast %shift_right_arithmetic3A_19 : i32 to index
      %swap3A_80 = arith.index_cast %mul3A_22 : i32 to index
      %swap3A_81 = tpu.vector_load %arg9[%swap3A_79, %swap3A_80] {strides = array<i32>} : memref<4x128xi32, #tpu.memory_space<vmem>>, vector<16xi32>,
      tpu.vector_store %arg9[%swap3A_79, %swap3A_80], %select_n3A_78 {strides = array<i32>} : memref<4x128xi32, #tpu.memory_space<vmem>>, vector<16xi32>,
      %lt3A_82 = arith.constant 524288 : i32
      %lt3A_83 = vector.broadcast %lt3A_82 : i32 to vector<16xi32>
      %lt3A_84 = arith.cmpi slt, %get3A_35, %lt3A_83 : vector<16xi32>
      %jit3A_85 = arith.constant 0 : i32
      %jit3A_86 = arith.constant 64 : i32
      %broadcast_in_dim3A_87 = vector.broadcast %jit3A_85 : i32 to vector<16xi32>
      %broadcast_in_dim3A_88 = vector.broadcast %jit3A_86 : i32 to vector<16xi32>
      %select_n3A_89 = arith.select %lt3A_84, %broadcast_in_dim3A_87, %broadcast_in_dim3A_88 : vector<16xi1>, vector<16xi32>
      %swap3A_90 = arith.index_cast %shift_right_arithmetic3A_19 : i32 to index
      %swap3A_91 = arith.index_cast %mul3A_22 : i32 to index
      %swap3A_92 = tpu.vector_load %arg12[%swap3A_90, %swap3A_91] {strides = array<i32>} : memref<4x128xi32, #tpu.memory_space<vmem>>, vector<16xi32>,
      tpu.vector_store %arg12[%swap3A_90, %swap3A_91], %select_n3A_89 {strides = array<i32>} : memref<4x128xi32, #tpu.memory_space<vmem>>, vector<16xi32>,
    }
    %scan3A_6 = arith.constant 32 : i32
    %scan3A_7 = arith.constant 0 : i32
    %scan3A_8 = arith.constant 2 : i32
    %scan3A_9 = arith.addi %scan3A_7, %scan3A_8 : i32
    %scan3A_10 = arith.constant 1 : i32
    scf.for %scan3A_14 = %scan3A_7 to %scan3A_9 step %scan3A_10  : i32 {
      %mul3A_15 = arith.constant 1 : i32
      %mul3A_16 = arith.muli %scan3A_14, %mul3A_15 : i32
      %add3A_17 = arith.constant 0 : i32
      %add3A_18 = arith.addi %add3A_17, %mul3A_16 : i32
      %mul3A_19 = arith.constant 2 : i32
      %mul3A_20 = arith.muli %add3A_18, %mul3A_19 : i32
      %add3A_21 = arith.constant 0 : i32
      %add3A_22 = arith.addi %mul3A_20, %add3A_21 : i32
      %dma_start3A = arith.constant 0 : i32
      %dma_start3A_23 = arith.constant 0 : i32
      %dma_start3A_24 = tpu.memref_slice %arg13[%dma_start3A, %dma_start3A_23] : memref<256x128xf32, #tpu.memory_space<vmem>> -> memref<128x128xf32, #tpu.memory_space<vmem>>
      %dma_start3A_25 = arith.constant 0 : i32
      %dma_start3A_26 = tpu.memref_slice %arg7[%add3A_22, %dma_start3A_25] : memref<4x128xi32, #tpu.memory_space<vmem>> -> memref<1x128xi32, #tpu.memory_space<vmem>>
      %dma_start3A_27 = tpu.memref_squeeze %dma_start3A_26 : memref<1x128xi32, #tpu.memory_space<vmem>> -> memref<128xi32, #tpu.memory_space<vmem>>
      %dma_start3A_28 = arith.constant 0 : i32
      %dma_start3A_29 = arith.constant 0 : i32
      %dma_start3A_30 = tpu.memref_slice %arg2[%dma_start3A_28, %dma_start3A_29] : memref<524288x128xf32, #tpu.memory_space<hbm>> -> memref<524288x128xf32, #tpu.memory_space<hbm>>
      tpu.enqueue_indirect_dma source(%dma_start3A_30 : memref<524288x128xf32, #tpu.memory_space<hbm>>) target(%dma_start3A_24 : memref<128x128xf32, #tpu.memory_space<vmem>>) offsets(%dma_start3A_27 : memref<128xi32, #tpu.memory_space<vmem>>) semaphore(%arg17 : memref<!tpu.dma_semaphore, #tpu.memory_space<semaphore_mem>>)
      %add3A_31 = arith.constant 0 : i32
      %add3A_32 = arith.addi %mul3A_20, %add3A_31 : i32
      %dma_start3A_33 = arith.constant 0 : i32
      %dma_start3A_34 = arith.constant 0 : i32
      %dma_start3A_35 = tpu.memref_slice %arg14[%dma_start3A_33, %dma_start3A_34] : memref<256x128xf32, #tpu.memory_space<vmem>> -> memref<128x128xf32, #tpu.memory_space<vmem>>
      %dma_start3A_36 = arith.constant 0 : i32
      %dma_start3A_37 = tpu.memref_slice %arg8[%add3A_32, %dma_start3A_36] : memref<4x128xi32, #tpu.memory_space<vmem>> -> memref<1x128xi32, #tpu.memory_space<vmem>>
      %dma_start3A_38 = tpu.memref_squeeze %dma_start3A_37 : memref<1x128xi32, #tpu.memory_space<vmem>> -> memref<128xi32, #tpu.memory_space<vmem>>
      %dma_start3A_39 = arith.constant 0 : i32
      %dma_start3A_40 = arith.constant 0 : i32
      %dma_start3A_41 = tpu.memref_slice %arg3[%dma_start3A_39, %dma_start3A_40] : memref<524288x128xf32, #tpu.memory_space<hbm>> -> memref<524288x128xf32, #tpu.memory_space<hbm>>
      tpu.enqueue_indirect_dma source(%dma_start3A_41 : memref<524288x128xf32, #tpu.memory_space<hbm>>) target(%dma_start3A_35 : memref<128x128xf32, #tpu.memory_space<vmem>>) offsets(%dma_start3A_38 : memref<128xi32, #tpu.memory_space<vmem>>) semaphore(%arg17 : memref<!tpu.dma_semaphore, #tpu.memory_space<semaphore_mem>>)
      %add3A_42 = arith.constant 0 : i32
      %add3A_43 = arith.addi %mul3A_20, %add3A_42 : i32
      %dma_start3A_44 = arith.constant 0 : i32
      %dma_start3A_45 = arith.constant 0 : i32
      %dma_start3A_46 = tpu.memref_slice %arg15[%dma_start3A_44, %dma_start3A_45] : memref<256x128xf32, #tpu.memory_space<vmem>> -> memref<128x128xf32, #tpu.memory_space<vmem>>
      %dma_start3A_47 = arith.constant 0 : i32
      %dma_start3A_48 = tpu.memref_slice %arg9[%add3A_43, %dma_start3A_47] : memref<4x128xi32, #tpu.memory_space<vmem>> -> memref<1x128xi32, #tpu.memory_space<vmem>>
      %dma_start3A_49 = tpu.memref_squeeze %dma_start3A_48 : memref<1x128xi32, #tpu.memory_space<vmem>> -> memref<128xi32, #tpu.memory_space<vmem>>
      %dma_start3A_50 = arith.constant 0 : i32
      %dma_start3A_51 = arith.constant 0 : i32
      %dma_start3A_52 = tpu.memref_slice %arg2[%dma_start3A_50, %dma_start3A_51] : memref<524288x128xf32, #tpu.memory_space<hbm>> -> memref<524288x128xf32, #tpu.memory_space<hbm>>
      tpu.enqueue_indirect_dma source(%dma_start3A_52 : memref<524288x128xf32, #tpu.memory_space<hbm>>) target(%dma_start3A_46 : memref<128x128xf32, #tpu.memory_space<vmem>>) offsets(%dma_start3A_49 : memref<128xi32, #tpu.memory_space<vmem>>) semaphore(%arg17 : memref<!tpu.dma_semaphore, #tpu.memory_space<semaphore_mem>>)
      %add3A_53 = arith.constant 1 : i32
      %add3A_54 = arith.addi %mul3A_20, %add3A_53 : i32
      %dma_start3A_55 = arith.constant 128 : i32
      %dma_start3A_56 = arith.constant 0 : i32
      %dma_start3A_57 = tpu.memref_slice %arg13[%dma_start3A_55, %dma_start3A_56] : memref<256x128xf32, #tpu.memory_space<vmem>> -> memref<128x128xf32, #tpu.memory_space<vmem>>
      %dma_start3A_58 = arith.constant 0 : i32
      %dma_start3A_59 = tpu.memref_slice %arg7[%add3A_54, %dma_start3A_58] : memref<4x128xi32, #tpu.memory_space<vmem>> -> memref<1x128xi32, #tpu.memory_space<vmem>>
      %dma_start3A_60 = tpu.memref_squeeze %dma_start3A_59 : memref<1x128xi32, #tpu.memory_space<vmem>> -> memref<128xi32, #tpu.memory_space<vmem>>
      %dma_start3A_61 = arith.constant 0 : i32
      %dma_start3A_62 = arith.constant 0 : i32
      %dma_start3A_63 = tpu.memref_slice %arg2[%dma_start3A_61, %dma_start3A_62] : memref<524288x128xf32, #tpu.memory_space<hbm>> -> memref<524288x128xf32, #tpu.memory_space<hbm>>
      tpu.enqueue_indirect_dma source(%dma_start3A_63 : memref<524288x128xf32, #tpu.memory_space<hbm>>) target(%dma_start3A_57 : memref<128x128xf32, #tpu.memory_space<vmem>>) offsets(%dma_start3A_60 : memref<128xi32, #tpu.memory_space<vmem>>) semaphore(%arg17 : memref<!tpu.dma_semaphore, #tpu.memory_space<semaphore_mem>>)
      %add3A_64 = arith.constant 1 : i32
      %add3A_65 = arith.addi %mul3A_20, %add3A_64 : i32
      %dma_start3A_66 = arith.constant 128 : i32
      %dma_start3A_67 = arith.constant 0 : i32
      %dma_start3A_68 = tpu.memref_slice %arg14[%dma_start3A_66, %dma_start3A_67] : memref<256x128xf32, #tpu.memory_space<vmem>> -> memref<128x128xf32, #tpu.memory_space<vmem>>
      %dma_start3A_69 = arith.constant 0 : i32
      %dma_start3A_70 = tpu.memref_slice %arg8[%add3A_65, %dma_start3A_69] : memref<4x128xi32, #tpu.memory_space<vmem>> -> memref<1x128xi32, #tpu.memory_space<vmem>>
      %dma_start3A_71 = tpu.memref_squeeze %dma_start3A_70 : memref<1x128xi32, #tpu.memory_space<vmem>> -> memref<128xi32, #tpu.memory_space<vmem>>
      %dma_start3A_72 = arith.constant 0 : i32
      %dma_start3A_73 = arith.constant 0 : i32
      %dma_start3A_74 = tpu.memref_slice %arg3[%dma_start3A_72, %dma_start3A_73] : memref<524288x128xf32, #tpu.memory_space<hbm>> -> memref<524288x128xf32, #tpu.memory_space<hbm>>
      tpu.enqueue_indirect_dma source(%dma_start3A_74 : memref<524288x128xf32, #tpu.memory_space<hbm>>) target(%dma_start3A_68 : memref<128x128xf32, #tpu.memory_space<vmem>>) offsets(%dma_start3A_71 : memref<128xi32, #tpu.memory_space<vmem>>) semaphore(%arg17 : memref<!tpu.dma_semaphore, #tpu.memory_space<semaphore_mem>>)
      %add3A_75 = arith.constant 1 : i32
      %add3A_76 = arith.addi %mul3A_20, %add3A_75 : i32
      %dma_start3A_77 = arith.constant 128 : i32
      %dma_start3A_78 = arith.constant 0 : i32
      %dma_start3A_79 = tpu.memref_slice %arg15[%dma_start3A_77, %dma_start3A_78] : memref<256x128xf32, #tpu.memory_space<vmem>> -> memref<128x128xf32, #tpu.memory_space<vmem>>
      %dma_start3A_80 = arith.constant 0 : i32
      %dma_start3A_81 = tpu.memref_slice %arg9[%add3A_76, %dma_start3A_80] : memref<4x128xi32, #tpu.memory_space<vmem>> -> memref<1x128xi32, #tpu.memory_space<vmem>>
      %dma_start3A_82 = tpu.memref_squeeze %dma_start3A_81 : memref<1x128xi32, #tpu.memory_space<vmem>> -> memref<128xi32, #tpu.memory_space<vmem>>
      %dma_start3A_83 = arith.constant 0 : i32
      %dma_start3A_84 = arith.constant 0 : i32
      %dma_start3A_85 = tpu.memref_slice %arg2[%dma_start3A_83, %dma_start3A_84] : memref<524288x128xf32, #tpu.memory_space<hbm>> -> memref<524288x128xf32, #tpu.memory_space<hbm>>
      tpu.enqueue_indirect_dma source(%dma_start3A_85 : memref<524288x128xf32, #tpu.memory_space<hbm>>) target(%dma_start3A_79 : memref<128x128xf32, #tpu.memory_space<vmem>>) offsets(%dma_start3A_82 : memref<128xi32, #tpu.memory_space<vmem>>) semaphore(%arg17 : memref<!tpu.dma_semaphore, #tpu.memory_space<semaphore_mem>>)
      %dma_wait3A = arith.constant 0 : i32
      %dma_wait3A_86 = arith.constant 0 : i32
      %dma_wait3A_87 = tpu.memref_slice %arg13[%dma_wait3A, %dma_wait3A_86] : memref<256x128xf32, #tpu.memory_space<vmem>> -> memref<128x128xf32, #tpu.memory_space<vmem>>
      %dma_wait3A_88 = arith.constant 0 : i32
      %dma_wait3A_89 = tpu.memref_slice %arg7[%add3A_22, %dma_wait3A_88] : memref<4x128xi32, #tpu.memory_space<vmem>> -> memref<1x128xi32, #tpu.memory_space<vmem>>
      %dma_wait3A_90 = tpu.memref_squeeze %dma_wait3A_89 : memref<1x128xi32, #tpu.memory_space<vmem>> -> memref<128xi32, #tpu.memory_space<vmem>>
      %dma_wait3A_91 = arith.constant 0 : i32
      %dma_wait3A_92 = arith.constant 0 : i32
      %dma_wait3A_93 = tpu.memref_slice %arg2[%dma_wait3A_91, %dma_wait3A_92] : memref<524288x128xf32, #tpu.memory_space<hbm>> -> memref<524288x128xf32, #tpu.memory_space<hbm>>
      tpu.wait_indirect_dma semaphore(%arg17 : memref<!tpu.dma_semaphore, #tpu.memory_space<semaphore_mem>>) src(%dma_wait3A_93 : memref<524288x128xf32, #tpu.memory_space<hbm>>) dst(%dma_wait3A_87 : memref<128x128xf32, #tpu.memory_space<vmem>>)
      %dma_wait3A_94 = arith.constant 0 : i32
      %dma_wait3A_95 = arith.constant 0 : i32
      %dma_wait3A_96 = tpu.memref_slice %arg14[%dma_wait3A_94, %dma_wait3A_95] : memref<256x128xf32, #tpu.memory_space<vmem>> -> memref<128x128xf32, #tpu.memory_space<vmem>>
      %dma_wait3A_97 = arith.constant 0 : i32
      %dma_wait3A_98 = tpu.memref_slice %arg8[%add3A_32, %dma_wait3A_97] : memref<4x128xi32, #tpu.memory_space<vmem>> -> memref<1x128xi32, #tpu.memory_space<vmem>>
      %dma_wait3A_99 = tpu.memref_squeeze %dma_wait3A_98 : memref<1x128xi32, #tpu.memory_space<vmem>> -> memref<128xi32, #tpu.memory_space<vmem>>
      %dma_wait3A_100 = arith.constant 0 : i32
      %dma_wait3A_101 = arith.constant 0 : i32
      %dma_wait3A_102 = tpu.memref_slice %arg3[%dma_wait3A_100, %dma_wait3A_101] : memref<524288x128xf32, #tpu.memory_space<hbm>> -> memref<524288x128xf32, #tpu.memory_space<hbm>>
      tpu.wait_indirect_dma semaphore(%arg17 : memref<!tpu.dma_semaphore, #tpu.memory_space<semaphore_mem>>) src(%dma_wait3A_102 : memref<524288x128xf32, #tpu.memory_space<hbm>>) dst(%dma_wait3A_96 : memref<128x128xf32, #tpu.memory_space<vmem>>)
      %dma_wait3A_103 = arith.constant 0 : i32
      %dma_wait3A_104 = arith.constant 0 : i32
      %dma_wait3A_105 = tpu.memref_slice %arg15[%dma_wait3A_103, %dma_wait3A_104] : memref<256x128xf32, #tpu.memory_space<vmem>> -> memref<128x128xf32, #tpu.memory_space<vmem>>
      %dma_wait3A_106 = arith.constant 0 : i32
      %dma_wait3A_107 = tpu.memref_slice %arg9[%add3A_43, %dma_wait3A_106] : memref<4x128xi32, #tpu.memory_space<vmem>> -> memref<1x128xi32, #tpu.memory_space<vmem>>
      %dma_wait3A_108 = tpu.memref_squeeze %dma_wait3A_107 : memref<1x128xi32, #tpu.memory_space<vmem>> -> memref<128xi32, #tpu.memory_space<vmem>>
      %dma_wait3A_109 = arith.constant 0 : i32
      %dma_wait3A_110 = arith.constant 0 : i32
      %dma_wait3A_111 = tpu.memref_slice %arg2[%dma_wait3A_109, %dma_wait3A_110] : memref<524288x128xf32, #tpu.memory_space<hbm>> -> memref<524288x128xf32, #tpu.memory_space<hbm>>
      tpu.wait_indirect_dma semaphore(%arg17 : memref<!tpu.dma_semaphore, #tpu.memory_space<semaphore_mem>>) src(%dma_wait3A_111 : memref<524288x128xf32, #tpu.memory_space<hbm>>) dst(%dma_wait3A_105 : memref<128x128xf32, #tpu.memory_space<vmem>>)
      %dma_wait3A_112 = arith.constant 128 : i32
      %dma_wait3A_113 = arith.constant 0 : i32
      %dma_wait3A_114 = tpu.memref_slice %arg13[%dma_wait3A_112, %dma_wait3A_113] : memref<256x128xf32, #tpu.memory_space<vmem>> -> memref<128x128xf32, #tpu.memory_space<vmem>>
      %dma_wait3A_115 = arith.constant 0 : i32
      %dma_wait3A_116 = tpu.memref_slice %arg7[%add3A_54, %dma_wait3A_115] : memref<4x128xi32, #tpu.memory_space<vmem>> -> memref<1x128xi32, #tpu.memory_space<vmem>>
      %dma_wait3A_117 = tpu.memref_squeeze %dma_wait3A_116 : memref<1x128xi32, #tpu.memory_space<vmem>> -> memref<128xi32, #tpu.memory_space<vmem>>
      %dma_wait3A_118 = arith.constant 0 : i32
      %dma_wait3A_119 = arith.constant 0 : i32
      %dma_wait3A_120 = tpu.memref_slice %arg2[%dma_wait3A_118, %dma_wait3A_119] : memref<524288x128xf32, #tpu.memory_space<hbm>> -> memref<524288x128xf32, #tpu.memory_space<hbm>>
      tpu.wait_indirect_dma semaphore(%arg17 : memref<!tpu.dma_semaphore, #tpu.memory_space<semaphore_mem>>) src(%dma_wait3A_120 : memref<524288x128xf32, #tpu.memory_space<hbm>>) dst(%dma_wait3A_114 : memref<128x128xf32, #tpu.memory_space<vmem>>)
      %dma_wait3A_121 = arith.constant 128 : i32
      %dma_wait3A_122 = arith.constant 0 : i32
      %dma_wait3A_123 = tpu.memref_slice %arg14[%dma_wait3A_121, %dma_wait3A_122] : memref<256x128xf32, #tpu.memory_space<vmem>> -> memref<128x128xf32, #tpu.memory_space<vmem>>
      %dma_wait3A_124 = arith.constant 0 : i32
      %dma_wait3A_125 = tpu.memref_slice %arg8[%add3A_65, %dma_wait3A_124] : memref<4x128xi32, #tpu.memory_space<vmem>> -> memref<1x128xi32, #tpu.memory_space<vmem>>
      %dma_wait3A_126 = tpu.memref_squeeze %dma_wait3A_125 : memref<1x128xi32, #tpu.memory_space<vmem>> -> memref<128xi32, #tpu.memory_space<vmem>>
      %dma_wait3A_127 = arith.constant 0 : i32
      %dma_wait3A_128 = arith.constant 0 : i32
      %dma_wait3A_129 = tpu.memref_slice %arg3[%dma_wait3A_127, %dma_wait3A_128] : memref<524288x128xf32, #tpu.memory_space<hbm>> -> memref<524288x128xf32, #tpu.memory_space<hbm>>
      tpu.wait_indirect_dma semaphore(%arg17 : memref<!tpu.dma_semaphore, #tpu.memory_space<semaphore_mem>>) src(%dma_wait3A_129 : memref<524288x128xf32, #tpu.memory_space<hbm>>) dst(%dma_wait3A_123 : memref<128x128xf32, #tpu.memory_space<vmem>>)
      %dma_wait3A_130 = arith.constant 128 : i32
      %dma_wait3A_131 = arith.constant 0 : i32
      %dma_wait3A_132 = tpu.memref_slice %arg15[%dma_wait3A_130, %dma_wait3A_131] : memref<256x128xf32, #tpu.memory_space<vmem>> -> memref<128x128xf32, #tpu.memory_space<vmem>>
      %dma_wait3A_133 = arith.constant 0 : i32
      %dma_wait3A_134 = tpu.memref_slice %arg9[%add3A_76, %dma_wait3A_133] : memref<4x128xi32, #tpu.memory_space<vmem>> -> memref<1x128xi32, #tpu.memory_space<vmem>>
      %dma_wait3A_135 = tpu.memref_squeeze %dma_wait3A_134 : memref<1x128xi32, #tpu.memory_space<vmem>> -> memref<128xi32, #tpu.memory_space<vmem>>
      %dma_wait3A_136 = arith.constant 0 : i32
      %dma_wait3A_137 = arith.constant 0 : i32
      %dma_wait3A_138 = tpu.memref_slice %arg2[%dma_wait3A_136, %dma_wait3A_137] : memref<524288x128xf32, #tpu.memory_space<hbm>> -> memref<524288x128xf32, #tpu.memory_space<hbm>>
      tpu.wait_indirect_dma semaphore(%arg17 : memref<!tpu.dma_semaphore, #tpu.memory_space<semaphore_mem>>) src(%dma_wait3A_138 : memref<524288x128xf32, #tpu.memory_space<hbm>>) dst(%dma_wait3A_132 : memref<128x128xf32, #tpu.memory_space<vmem>>)
      %scan3A_139 = arith.constant 0 : i32
      %scan3A_140 = arith.constant 16 : i32
      %scan3A_141 = arith.addi %scan3A_139, %scan3A_140 : i32
      %scan3A_142 = arith.constant 1 : i32
      scf.for %scan3A_144 = %scan3A_139 to %scan3A_141 step %scan3A_142  : i32 {
        %mul3A_145 = arith.constant 1 : i32
        %mul3A_146 = arith.muli %scan3A_144, %mul3A_145 : i32
        %add3A_147 = arith.constant 0 : i32
        %add3A_148 = arith.addi %add3A_147, %mul3A_146 : i32
        %shift_right_arithmetic3A = arith.constant 3 : i32
        %shift_right_arithmetic3A_149 = arith.shrsi %add3A_148, %shift_right_arithmetic3A : i32
        %add3A_150 = arith.addi %mul3A_20, %shift_right_arithmetic3A_149 : i32
        %and3A = arith.constant 7 : i32
        %and3A_151 = arith.andi %add3A_148, %and3A : i32
        %mul3A_152 = arith.constant 16 : i32
        %mul3A_153 = arith.muli %and3A_151, %mul3A_152 : i32
        %mul3A_154 = arith.constant 16 : i32
        %mul3A_155 = arith.muli %add3A_148, %mul3A_154 : i32
        %add3A_156 = vector.broadcast %mul3A_155 : i32 to vector<16xi32>
        %add3A_157 = arith.addi %add3A_156, %iota3A : vector<16xi32>
        %get3A = arith.index_cast %add3A_150 : i32 to index
        %get3A_158 = arith.index_cast %mul3A_153 : i32 to index
        %get3A_159 = tpu.vector_load %arg10[%get3A, %get3A_158] {strides = array<i32>} : memref<4x128xi32, #tpu.memory_space<vmem>>, vector<16xi32>,
        %get3A_160 = arith.index_cast %add3A_150 : i32 to index
        %get3A_161 = arith.index_cast %mul3A_153 : i32 to index
        %get3A_162 = tpu.vector_load %arg11[%get3A_160, %get3A_161] {strides = array<i32>} : memref<4x128xi32, #tpu.memory_space<vmem>>, vector<16xi32>,
        %get3A_163 = arith.index_cast %add3A_150 : i32 to index
        %get3A_164 = arith.index_cast %mul3A_153 : i32 to index
        %get3A_165 = tpu.vector_load %arg12[%get3A_163, %get3A_164] {strides = array<i32>} : memref<4x128xi32, #tpu.memory_space<vmem>>, vector<16xi32>,
        %broadcast_in_dim3A = arith.constant 0.000000e+00 : f32
        %broadcast_in_dim3A_166 = vector.broadcast %broadcast_in_dim3A : f32 to vector<16xf32>
        %broadcast_in_dim3A_167 = arith.constant 0.000000e+00 : f32
        %broadcast_in_dim3A_168 = vector.broadcast %broadcast_in_dim3A_167 : f32 to vector<16xf32>
        %broadcast_in_dim3A_169 = arith.constant 0.000000e+00 : f32
        %broadcast_in_dim3A_170 = vector.broadcast %broadcast_in_dim3A_169 : f32 to vector<16xf32>
        %broadcast_in_dim3A_171 = arith.constant 0.000000e+00 : f32
        %broadcast_in_dim3A_172 = vector.broadcast %broadcast_in_dim3A_171 : f32 to vector<16xf32>
        %add3A_173 = arith.constant 0 : i32
        %add3A_174 = vector.broadcast %add3A_173 : i32 to vector<16xi32>
        %add3A_175 = arith.addi %get3A_159, %add3A_174 : vector<16xi32>
        %gather3A = tpu.vector_load_idx %arg13[%add3A_157, %add3A_175] : memref<256x128xf32, #tpu.memory_space<vmem>>[vector<16xi32>, vector<16xi32>], vector<16xf32>,
        %add3A_176 = arith.constant 0 : i32
        %add3A_177 = vector.broadcast %add3A_176 : i32 to vector<16xi32>
        %add3A_178 = arith.addi %get3A_162, %add3A_177 : vector<16xi32>
        %gather3A_179 = tpu.vector_load_idx %arg14[%add3A_157, %add3A_178] : memref<256x128xf32, #tpu.memory_space<vmem>>[vector<16xi32>, vector<16xi32>], vector<16xf32>,
        %add3A_180 = arith.constant 0 : i32
        %add3A_181 = vector.broadcast %add3A_180 : i32 to vector<16xi32>
        %add3A_182 = arith.addi %get3A_165, %add3A_181 : vector<16xi32>
        %gather3A_183 = tpu.vector_load_idx %arg15[%add3A_157, %add3A_182] : memref<256x128xf32, #tpu.memory_space<vmem>>[vector<16xi32>, vector<16xi32>], vector<16xf32>,
        %add3A_184 = arith.addf %gather3A, %gather3A_179 : vector<16xf32>
        %sub3A = arith.subf %add3A_184, %gather3A_183 : vector<16xf32>
        %abs3A = math.absf %sub3A : vector<16xf32>
        %add3A_185 = arith.addf %broadcast_in_dim3A_166, %abs3A : vector<16xf32>
        %add3A_186 = arith.constant 1 : i32
        %add3A_187 = vector.broadcast %add3A_186 : i32 to vector<16xi32>
        %add3A_188 = arith.addi %get3A_159, %add3A_187 : vector<16xi32>
        %gather3A_189 = tpu.vector_load_idx %arg13[%add3A_157, %add3A_188] : memref<256x128xf32, #tpu.memory_space<vmem>>[vector<16xi32>, vector<16xi32>], vector<16xf32>,
        %add3A_190 = arith.constant 1 : i32
        %add3A_191 = vector.broadcast %add3A_190 : i32 to vector<16xi32>
        %add3A_192 = arith.addi %get3A_162, %add3A_191 : vector<16xi32>
        %gather3A_193 = tpu.vector_load_idx %arg14[%add3A_157, %add3A_192] : memref<256x128xf32, #tpu.memory_space<vmem>>[vector<16xi32>, vector<16xi32>], vector<16xf32>,
        %add3A_194 = arith.constant 1 : i32
        %add3A_195 = vector.broadcast %add3A_194 : i32 to vector<16xi32>
        %add3A_196 = arith.addi %get3A_165, %add3A_195 : vector<16xi32>
        %gather3A_197 = tpu.vector_load_idx %arg15[%add3A_157, %add3A_196] : memref<256x128xf32, #tpu.memory_space<vmem>>[vector<16xi32>, vector<16xi32>], vector<16xf32>,
        %add3A_198 = arith.addf %gather3A_189, %gather3A_193 : vector<16xf32>
        %sub3A_199 = arith.subf %add3A_198, %gather3A_197 : vector<16xf32>
        %abs3A_200 = math.absf %sub3A_199 : vector<16xf32>
        %add3A_201 = arith.addf %broadcast_in_dim3A_168, %abs3A_200 : vector<16xf32>
        %add3A_202 = arith.constant 2 : i32
        %add3A_203 = vector.broadcast %add3A_202 : i32 to vector<16xi32>
        %add3A_204 = arith.addi %get3A_159, %add3A_203 : vector<16xi32>
        %gather3A_205 = tpu.vector_load_idx %arg13[%add3A_157, %add3A_204] : memref<256x128xf32, #tpu.memory_space<vmem>>[vector<16xi32>, vector<16xi32>], vector<16xf32>,
        %add3A_206 = arith.constant 2 : i32
        %add3A_207 = vector.broadcast %add3A_206 : i32 to vector<16xi32>
        %add3A_208 = arith.addi %get3A_162, %add3A_207 : vector<16xi32>
        %gather3A_209 = tpu.vector_load_idx %arg14[%add3A_157, %add3A_208] : memref<256x128xf32, #tpu.memory_space<vmem>>[vector<16xi32>, vector<16xi32>], vector<16xf32>,
        %add3A_210 = arith.constant 2 : i32
        %add3A_211 = vector.broadcast %add3A_210 : i32 to vector<16xi32>
        %add3A_212 = arith.addi %get3A_165, %add3A_211 : vector<16xi32>
        %gather3A_213 = tpu.vector_load_idx %arg15[%add3A_157, %add3A_212] : memref<256x128xf32, #tpu.memory_space<vmem>>[vector<16xi32>, vector<16xi32>], vector<16xf32>,
        %add3A_214 = arith.addf %gather3A_205, %gather3A_209 : vector<16xf32>
        %sub3A_215 = arith.subf %add3A_214, %gather3A_213 : vector<16xf32>
        %abs3A_216 = math.absf %sub3A_215 : vector<16xf32>
        %add3A_217 = arith.addf %broadcast_in_dim3A_170, %abs3A_216 : vector<16xf32>
        %add3A_218 = arith.constant 3 : i32
        %add3A_219 = vector.broadcast %add3A_218 : i32 to vector<16xi32>
        %add3A_220 = arith.addi %get3A_159, %add3A_219 : vector<16xi32>
        %gather3A_221 = tpu.vector_load_idx %arg13[%add3A_157, %add3A_220] : memref<256x128xf32, #tpu.memory_space<vmem>>[vector<16xi32>, vector<16xi32>], vector<16xf32>,
        %add3A_222 = arith.constant 3 : i32
        %add3A_223 = vector.broadcast %add3A_222 : i32 to vector<16xi32>
        %add3A_224 = arith.addi %get3A_162, %add3A_223 : vector<16xi32>
        %gather3A_225 = tpu.vector_load_idx %arg14[%add3A_157, %add3A_224] : memref<256x128xf32, #tpu.memory_space<vmem>>[vector<16xi32>, vector<16xi32>], vector<16xf32>,
        %add3A_226 = arith.constant 3 : i32
        %add3A_227 = vector.broadcast %add3A_226 : i32 to vector<16xi32>
        %add3A_228 = arith.addi %get3A_165, %add3A_227 : vector<16xi32>
        %gather3A_229 = tpu.vector_load_idx %arg15[%add3A_157, %add3A_228] : memref<256x128xf32, #tpu.memory_space<vmem>>[vector<16xi32>, vector<16xi32>], vector<16xf32>,
        %add3A_230 = arith.addf %gather3A_221, %gather3A_225 : vector<16xf32>
        %sub3A_231 = arith.subf %add3A_230, %gather3A_229 : vector<16xf32>
        %abs3A_232 = math.absf %sub3A_231 : vector<16xf32>
        %add3A_233 = arith.addf %broadcast_in_dim3A_172, %abs3A_232 : vector<16xf32>
        %add3A_234 = arith.constant 4 : i32
        %add3A_235 = vector.broadcast %add3A_234 : i32 to vector<16xi32>
        %add3A_236 = arith.addi %get3A_159, %add3A_235 : vector<16xi32>
        %gather3A_237 = tpu.vector_load_idx %arg13[%add3A_157, %add3A_236] : memref<256x128xf32, #tpu.memory_space<vmem>>[vector<16xi32>, vector<16xi32>], vector<16xf32>,
        %add3A_238 = arith.constant 4 : i32
        %add3A_239 = vector.broadcast %add3A_238 : i32 to vector<16xi32>
        %add3A_240 = arith.addi %get3A_162, %add3A_239 : vector<16xi32>
        %gather3A_241 = tpu.vector_load_idx %arg14[%add3A_157, %add3A_240] : memref<256x128xf32, #tpu.memory_space<vmem>>[vector<16xi32>, vector<16xi32>], vector<16xf32>,
        %add3A_242 = arith.constant 4 : i32
        %add3A_243 = vector.broadcast %add3A_242 : i32 to vector<16xi32>
        %add3A_244 = arith.addi %get3A_165, %add3A_243 : vector<16xi32>
        %gather3A_245 = tpu.vector_load_idx %arg15[%add3A_157, %add3A_244] : memref<256x128xf32, #tpu.memory_space<vmem>>[vector<16xi32>, vector<16xi32>], vector<16xf32>,
        %add3A_246 = arith.addf %gather3A_237, %gather3A_241 : vector<16xf32>
        %sub3A_247 = arith.subf %add3A_246, %gather3A_245 : vector<16xf32>
        %abs3A_248 = math.absf %sub3A_247 : vector<16xf32>
        %add3A_249 = arith.addf %add3A_185, %abs3A_248 : vector<16xf32>
        %add3A_250 = arith.constant 5 : i32
        %add3A_251 = vector.broadcast %add3A_250 : i32 to vector<16xi32>
        %add3A_252 = arith.addi %get3A_159, %add3A_251 : vector<16xi32>
        %gather3A_253 = tpu.vector_load_idx %arg13[%add3A_157, %add3A_252] : memref<256x128xf32, #tpu.memory_space<vmem>>[vector<16xi32>, vector<16xi32>], vector<16xf32>,
        %add3A_254 = arith.constant 5 : i32
        %add3A_255 = vector.broadcast %add3A_254 : i32 to vector<16xi32>
        %add3A_256 = arith.addi %get3A_162, %add3A_255 : vector<16xi32>
        %gather3A_257 = tpu.vector_load_idx %arg14[%add3A_157, %add3A_256] : memref<256x128xf32, #tpu.memory_space<vmem>>[vector<16xi32>, vector<16xi32>], vector<16xf32>,
        %add3A_258 = arith.constant 5 : i32
        %add3A_259 = vector.broadcast %add3A_258 : i32 to vector<16xi32>
        %add3A_260 = arith.addi %get3A_165, %add3A_259 : vector<16xi32>
        %gather3A_261 = tpu.vector_load_idx %arg15[%add3A_157, %add3A_260] : memref<256x128xf32, #tpu.memory_space<vmem>>[vector<16xi32>, vector<16xi32>], vector<16xf32>,
        %add3A_262 = arith.addf %gather3A_253, %gather3A_257 : vector<16xf32>
        %sub3A_263 = arith.subf %add3A_262, %gather3A_261 : vector<16xf32>
        %abs3A_264 = math.absf %sub3A_263 : vector<16xf32>
        %add3A_265 = arith.addf %add3A_201, %abs3A_264 : vector<16xf32>
        %add3A_266 = arith.constant 6 : i32
        %add3A_267 = vector.broadcast %add3A_266 : i32 to vector<16xi32>
        %add3A_268 = arith.addi %get3A_159, %add3A_267 : vector<16xi32>
        %gather3A_269 = tpu.vector_load_idx %arg13[%add3A_157, %add3A_268] : memref<256x128xf32, #tpu.memory_space<vmem>>[vector<16xi32>, vector<16xi32>], vector<16xf32>,
        %add3A_270 = arith.constant 6 : i32
        %add3A_271 = vector.broadcast %add3A_270 : i32 to vector<16xi32>
        %add3A_272 = arith.addi %get3A_162, %add3A_271 : vector<16xi32>
        %gather3A_273 = tpu.vector_load_idx %arg14[%add3A_157, %add3A_272] : memref<256x128xf32, #tpu.memory_space<vmem>>[vector<16xi32>, vector<16xi32>], vector<16xf32>,
        %add3A_274 = arith.constant 6 : i32
        %add3A_275 = vector.broadcast %add3A_274 : i32 to vector<16xi32>
        %add3A_276 = arith.addi %get3A_165, %add3A_275 : vector<16xi32>
        %gather3A_277 = tpu.vector_load_idx %arg15[%add3A_157, %add3A_276] : memref<256x128xf32, #tpu.memory_space<vmem>>[vector<16xi32>, vector<16xi32>], vector<16xf32>,
        %add3A_278 = arith.addf %gather3A_269, %gather3A_273 : vector<16xf32>
        %sub3A_279 = arith.subf %add3A_278, %gather3A_277 : vector<16xf32>
        %abs3A_280 = math.absf %sub3A_279 : vector<16xf32>
        %add3A_281 = arith.addf %add3A_217, %abs3A_280 : vector<16xf32>
        %add3A_282 = arith.constant 7 : i32
        %add3A_283 = vector.broadcast %add3A_282 : i32 to vector<16xi32>
        %add3A_284 = arith.addi %get3A_159, %add3A_283 : vector<16xi32>
        %gather3A_285 = tpu.vector_load_idx %arg13[%add3A_157, %add3A_284] : memref<256x128xf32, #tpu.memory_space<vmem>>[vector<16xi32>, vector<16xi32>], vector<16xf32>,
        %add3A_286 = arith.constant 7 : i32
        %add3A_287 = vector.broadcast %add3A_286 : i32 to vector<16xi32>
        %add3A_288 = arith.addi %get3A_162, %add3A_287 : vector<16xi32>
        %gather3A_289 = tpu.vector_load_idx %arg14[%add3A_157, %add3A_288] : memref<256x128xf32, #tpu.memory_space<vmem>>[vector<16xi32>, vector<16xi32>], vector<16xf32>,
        %add3A_290 = arith.constant 7 : i32
        %add3A_291 = vector.broadcast %add3A_290 : i32 to vector<16xi32>
        %add3A_292 = arith.addi %get3A_165, %add3A_291 : vector<16xi32>
        %gather3A_293 = tpu.vector_load_idx %arg15[%add3A_157, %add3A_292] : memref<256x128xf32, #tpu.memory_space<vmem>>[vector<16xi32>, vector<16xi32>], vector<16xf32>,
        %add3A_294 = arith.addf %gather3A_285, %gather3A_289 : vector<16xf32>
        %sub3A_295 = arith.subf %add3A_294, %gather3A_293 : vector<16xf32>
        %abs3A_296 = math.absf %sub3A_295 : vector<16xf32>
        %add3A_297 = arith.addf %add3A_233, %abs3A_296 : vector<16xf32>
        %add3A_298 = arith.constant 8 : i32
        %add3A_299 = vector.broadcast %add3A_298 : i32 to vector<16xi32>
        %add3A_300 = arith.addi %get3A_159, %add3A_299 : vector<16xi32>
        %gather3A_301 = tpu.vector_load_idx %arg13[%add3A_157, %add3A_300] : memref<256x128xf32, #tpu.memory_space<vmem>>[vector<16xi32>, vector<16xi32>], vector<16xf32>,
        %add3A_302 = arith.constant 8 : i32
        %add3A_303 = vector.broadcast %add3A_302 : i32 to vector<16xi32>
        %add3A_304 = arith.addi %get3A_162, %add3A_303 : vector<16xi32>
        %gather3A_305 = tpu.vector_load_idx %arg14[%add3A_157, %add3A_304] : memref<256x128xf32, #tpu.memory_space<vmem>>[vector<16xi32>, vector<16xi32>], vector<16xf32>,
        %add3A_306 = arith.constant 8 : i32
        %add3A_307 = vector.broadcast %add3A_306 : i32 to vector<16xi32>
        %add3A_308 = arith.addi %get3A_165, %add3A_307 : vector<16xi32>
        %gather3A_309 = tpu.vector_load_idx %arg15[%add3A_157, %add3A_308] : memref<256x128xf32, #tpu.memory_space<vmem>>[vector<16xi32>, vector<16xi32>], vector<16xf32>,
        %add3A_310 = arith.addf %gather3A_301, %gather3A_305 : vector<16xf32>
        %sub3A_311 = arith.subf %add3A_310, %gather3A_309 : vector<16xf32>
        %abs3A_312 = math.absf %sub3A_311 : vector<16xf32>
        %add3A_313 = arith.addf %add3A_249, %abs3A_312 : vector<16xf32>
        %add3A_314 = arith.constant 9 : i32
        %add3A_315 = vector.broadcast %add3A_314 : i32 to vector<16xi32>
        %add3A_316 = arith.addi %get3A_159, %add3A_315 : vector<16xi32>
        %gather3A_317 = tpu.vector_load_idx %arg13[%add3A_157, %add3A_316] : memref<256x128xf32, #tpu.memory_space<vmem>>[vector<16xi32>, vector<16xi32>], vector<16xf32>,
        %add3A_318 = arith.constant 9 : i32
        %add3A_319 = vector.broadcast %add3A_318 : i32 to vector<16xi32>
        %add3A_320 = arith.addi %get3A_162, %add3A_319 : vector<16xi32>
        %gather3A_321 = tpu.vector_load_idx %arg14[%add3A_157, %add3A_320] : memref<256x128xf32, #tpu.memory_space<vmem>>[vector<16xi32>, vector<16xi32>], vector<16xf32>,
        %add3A_322 = arith.constant 9 : i32
        %add3A_323 = vector.broadcast %add3A_322 : i32 to vector<16xi32>
        %add3A_324 = arith.addi %get3A_165, %add3A_323 : vector<16xi32>
        %gather3A_325 = tpu.vector_load_idx %arg15[%add3A_157, %add3A_324] : memref<256x128xf32, #tpu.memory_space<vmem>>[vector<16xi32>, vector<16xi32>], vector<16xf32>,
        %add3A_326 = arith.addf %gather3A_317, %gather3A_321 : vector<16xf32>
        %sub3A_327 = arith.subf %add3A_326, %gather3A_325 : vector<16xf32>
        %abs3A_328 = math.absf %sub3A_327 : vector<16xf32>
        %add3A_329 = arith.addf %add3A_265, %abs3A_328 : vector<16xf32>
        %add3A_330 = arith.constant 10 : i32
        %add3A_331 = vector.broadcast %add3A_330 : i32 to vector<16xi32>
        %add3A_332 = arith.addi %get3A_159, %add3A_331 : vector<16xi32>
        %gather3A_333 = tpu.vector_load_idx %arg13[%add3A_157, %add3A_332] : memref<256x128xf32, #tpu.memory_space<vmem>>[vector<16xi32>, vector<16xi32>], vector<16xf32>,
        %add3A_334 = arith.constant 10 : i32
        %add3A_335 = vector.broadcast %add3A_334 : i32 to vector<16xi32>
        %add3A_336 = arith.addi %get3A_162, %add3A_335 : vector<16xi32>
        %gather3A_337 = tpu.vector_load_idx %arg14[%add3A_157, %add3A_336] : memref<256x128xf32, #tpu.memory_space<vmem>>[vector<16xi32>, vector<16xi32>], vector<16xf32>,
        %add3A_338 = arith.constant 10 : i32
        %add3A_339 = vector.broadcast %add3A_338 : i32 to vector<16xi32>
        %add3A_340 = arith.addi %get3A_165, %add3A_339 : vector<16xi32>
        %gather3A_341 = tpu.vector_load_idx %arg15[%add3A_157, %add3A_340] : memref<256x128xf32, #tpu.memory_space<vmem>>[vector<16xi32>, vector<16xi32>], vector<16xf32>,
        %add3A_342 = arith.addf %gather3A_333, %gather3A_337 : vector<16xf32>
        %sub3A_343 = arith.subf %add3A_342, %gather3A_341 : vector<16xf32>
        %abs3A_344 = math.absf %sub3A_343 : vector<16xf32>
        %add3A_345 = arith.addf %add3A_281, %abs3A_344 : vector<16xf32>
        %add3A_346 = arith.constant 11 : i32
        %add3A_347 = vector.broadcast %add3A_346 : i32 to vector<16xi32>
        %add3A_348 = arith.addi %get3A_159, %add3A_347 : vector<16xi32>
        %gather3A_349 = tpu.vector_load_idx %arg13[%add3A_157, %add3A_348] : memref<256x128xf32, #tpu.memory_space<vmem>>[vector<16xi32>, vector<16xi32>], vector<16xf32>,
        %add3A_350 = arith.constant 11 : i32
        %add3A_351 = vector.broadcast %add3A_350 : i32 to vector<16xi32>
        %add3A_352 = arith.addi %get3A_162, %add3A_351 : vector<16xi32>
        %gather3A_353 = tpu.vector_load_idx %arg14[%add3A_157, %add3A_352] : memref<256x128xf32, #tpu.memory_space<vmem>>[vector<16xi32>, vector<16xi32>], vector<16xf32>,
        %add3A_354 = arith.constant 11 : i32
        %add3A_355 = vector.broadcast %add3A_354 : i32 to vector<16xi32>
        %add3A_356 = arith.addi %get3A_165, %add3A_355 : vector<16xi32>
        %gather3A_357 = tpu.vector_load_idx %arg15[%add3A_157, %add3A_356] : memref<256x128xf32, #tpu.memory_space<vmem>>[vector<16xi32>, vector<16xi32>], vector<16xf32>,
        %add3A_358 = arith.addf %gather3A_349, %gather3A_353 : vector<16xf32>
        %sub3A_359 = arith.subf %add3A_358, %gather3A_357 : vector<16xf32>
        %abs3A_360 = math.absf %sub3A_359 : vector<16xf32>
        %add3A_361 = arith.addf %add3A_297, %abs3A_360 : vector<16xf32>
        %add3A_362 = arith.constant 12 : i32
        %add3A_363 = vector.broadcast %add3A_362 : i32 to vector<16xi32>
        %add3A_364 = arith.addi %get3A_159, %add3A_363 : vector<16xi32>
        %gather3A_365 = tpu.vector_load_idx %arg13[%add3A_157, %add3A_364] : memref<256x128xf32, #tpu.memory_space<vmem>>[vector<16xi32>, vector<16xi32>], vector<16xf32>,
        %add3A_366 = arith.constant 12 : i32
        %add3A_367 = vector.broadcast %add3A_366 : i32 to vector<16xi32>
        %add3A_368 = arith.addi %get3A_162, %add3A_367 : vector<16xi32>
        %gather3A_369 = tpu.vector_load_idx %arg14[%add3A_157, %add3A_368] : memref<256x128xf32, #tpu.memory_space<vmem>>[vector<16xi32>, vector<16xi32>], vector<16xf32>,
        %add3A_370 = arith.constant 12 : i32
        %add3A_371 = vector.broadcast %add3A_370 : i32 to vector<16xi32>
        %add3A_372 = arith.addi %get3A_165, %add3A_371 : vector<16xi32>
        %gather3A_373 = tpu.vector_load_idx %arg15[%add3A_157, %add3A_372] : memref<256x128xf32, #tpu.memory_space<vmem>>[vector<16xi32>, vector<16xi32>], vector<16xf32>,
        %add3A_374 = arith.addf %gather3A_365, %gather3A_369 : vector<16xf32>
        %sub3A_375 = arith.subf %add3A_374, %gather3A_373 : vector<16xf32>
        %abs3A_376 = math.absf %sub3A_375 : vector<16xf32>
        %add3A_377 = arith.addf %add3A_313, %abs3A_376 : vector<16xf32>
        %add3A_378 = arith.constant 13 : i32
        %add3A_379 = vector.broadcast %add3A_378 : i32 to vector<16xi32>
        %add3A_380 = arith.addi %get3A_159, %add3A_379 : vector<16xi32>
        %gather3A_381 = tpu.vector_load_idx %arg13[%add3A_157, %add3A_380] : memref<256x128xf32, #tpu.memory_space<vmem>>[vector<16xi32>, vector<16xi32>], vector<16xf32>,
        %add3A_382 = arith.constant 13 : i32
        %add3A_383 = vector.broadcast %add3A_382 : i32 to vector<16xi32>
        %add3A_384 = arith.addi %get3A_162, %add3A_383 : vector<16xi32>
        %gather3A_385 = tpu.vector_load_idx %arg14[%add3A_157, %add3A_384] : memref<256x128xf32, #tpu.memory_space<vmem>>[vector<16xi32>, vector<16xi32>], vector<16xf32>,
        %add3A_386 = arith.constant 13 : i32
        %add3A_387 = vector.broadcast %add3A_386 : i32 to vector<16xi32>
        %add3A_388 = arith.addi %get3A_165, %add3A_387 : vector<16xi32>
        %gather3A_389 = tpu.vector_load_idx %arg15[%add3A_157, %add3A_388] : memref<256x128xf32, #tpu.memory_space<vmem>>[vector<16xi32>, vector<16xi32>], vector<16xf32>,
        %add3A_390 = arith.addf %gather3A_381, %gather3A_385 : vector<16xf32>
        %sub3A_391 = arith.subf %add3A_390, %gather3A_389 : vector<16xf32>
        %abs3A_392 = math.absf %sub3A_391 : vector<16xf32>
        %add3A_393 = arith.addf %add3A_329, %abs3A_392 : vector<16xf32>
        %add3A_394 = arith.constant 14 : i32
        %add3A_395 = vector.broadcast %add3A_394 : i32 to vector<16xi32>
        %add3A_396 = arith.addi %get3A_159, %add3A_395 : vector<16xi32>
        %gather3A_397 = tpu.vector_load_idx %arg13[%add3A_157, %add3A_396] : memref<256x128xf32, #tpu.memory_space<vmem>>[vector<16xi32>, vector<16xi32>], vector<16xf32>,
        %add3A_398 = arith.constant 14 : i32
        %add3A_399 = vector.broadcast %add3A_398 : i32 to vector<16xi32>
        %add3A_400 = arith.addi %get3A_162, %add3A_399 : vector<16xi32>
        %gather3A_401 = tpu.vector_load_idx %arg14[%add3A_157, %add3A_400] : memref<256x128xf32, #tpu.memory_space<vmem>>[vector<16xi32>, vector<16xi32>], vector<16xf32>,
        %add3A_402 = arith.constant 14 : i32
        %add3A_403 = vector.broadcast %add3A_402 : i32 to vector<16xi32>
        %add3A_404 = arith.addi %get3A_165, %add3A_403 : vector<16xi32>
        %gather3A_405 = tpu.vector_load_idx %arg15[%add3A_157, %add3A_404] : memref<256x128xf32, #tpu.memory_space<vmem>>[vector<16xi32>, vector<16xi32>], vector<16xf32>,
        %add3A_406 = arith.addf %gather3A_397, %gather3A_401 : vector<16xf32>
        %sub3A_407 = arith.subf %add3A_406, %gather3A_405 : vector<16xf32>
        %abs3A_408 = math.absf %sub3A_407 : vector<16xf32>
        %add3A_409 = arith.addf %add3A_345, %abs3A_408 : vector<16xf32>
        %add3A_410 = arith.constant 15 : i32
        %add3A_411 = vector.broadcast %add3A_410 : i32 to vector<16xi32>
        %add3A_412 = arith.addi %get3A_159, %add3A_411 : vector<16xi32>
        %gather3A_413 = tpu.vector_load_idx %arg13[%add3A_157, %add3A_412] : memref<256x128xf32, #tpu.memory_space<vmem>>[vector<16xi32>, vector<16xi32>], vector<16xf32>,
        %add3A_414 = arith.constant 15 : i32
        %add3A_415 = vector.broadcast %add3A_414 : i32 to vector<16xi32>
        %add3A_416 = arith.addi %get3A_162, %add3A_415 : vector<16xi32>
        %gather3A_417 = tpu.vector_load_idx %arg14[%add3A_157, %add3A_416] : memref<256x128xf32, #tpu.memory_space<vmem>>[vector<16xi32>, vector<16xi32>], vector<16xf32>,
        %add3A_418 = arith.constant 15 : i32
        %add3A_419 = vector.broadcast %add3A_418 : i32 to vector<16xi32>
        %add3A_420 = arith.addi %get3A_165, %add3A_419 : vector<16xi32>
        %gather3A_421 = tpu.vector_load_idx %arg15[%add3A_157, %add3A_420] : memref<256x128xf32, #tpu.memory_space<vmem>>[vector<16xi32>, vector<16xi32>], vector<16xf32>,
        %add3A_422 = arith.addf %gather3A_413, %gather3A_417 : vector<16xf32>
        %sub3A_423 = arith.subf %add3A_422, %gather3A_421 : vector<16xf32>
        %abs3A_424 = math.absf %sub3A_423 : vector<16xf32>
        %add3A_425 = arith.addf %add3A_361, %abs3A_424 : vector<16xf32>
        %add3A_426 = arith.constant 16 : i32
        %add3A_427 = vector.broadcast %add3A_426 : i32 to vector<16xi32>
        %add3A_428 = arith.addi %get3A_159, %add3A_427 : vector<16xi32>
        %gather3A_429 = tpu.vector_load_idx %arg13[%add3A_157, %add3A_428] : memref<256x128xf32, #tpu.memory_space<vmem>>[vector<16xi32>, vector<16xi32>], vector<16xf32>,
        %add3A_430 = arith.constant 16 : i32
        %add3A_431 = vector.broadcast %add3A_430 : i32 to vector<16xi32>
        %add3A_432 = arith.addi %get3A_162, %add3A_431 : vector<16xi32>
        %gather3A_433 = tpu.vector_load_idx %arg14[%add3A_157, %add3A_432] : memref<256x128xf32, #tpu.memory_space<vmem>>[vector<16xi32>, vector<16xi32>], vector<16xf32>,
        %add3A_434 = arith.constant 16 : i32
        %add3A_435 = vector.broadcast %add3A_434 : i32 to vector<16xi32>
        %add3A_436 = arith.addi %get3A_165, %add3A_435 : vector<16xi32>
        %gather3A_437 = tpu.vector_load_idx %arg15[%add3A_157, %add3A_436] : memref<256x128xf32, #tpu.memory_space<vmem>>[vector<16xi32>, vector<16xi32>], vector<16xf32>,
        %add3A_438 = arith.addf %gather3A_429, %gather3A_433 : vector<16xf32>
        %sub3A_439 = arith.subf %add3A_438, %gather3A_437 : vector<16xf32>
        %abs3A_440 = math.absf %sub3A_439 : vector<16xf32>
        %add3A_441 = arith.addf %add3A_377, %abs3A_440 : vector<16xf32>
        %add3A_442 = arith.constant 17 : i32
        %add3A_443 = vector.broadcast %add3A_442 : i32 to vector<16xi32>
        %add3A_444 = arith.addi %get3A_159, %add3A_443 : vector<16xi32>
        %gather3A_445 = tpu.vector_load_idx %arg13[%add3A_157, %add3A_444] : memref<256x128xf32, #tpu.memory_space<vmem>>[vector<16xi32>, vector<16xi32>], vector<16xf32>,
        %add3A_446 = arith.constant 17 : i32
        %add3A_447 = vector.broadcast %add3A_446 : i32 to vector<16xi32>
        %add3A_448 = arith.addi %get3A_162, %add3A_447 : vector<16xi32>
        %gather3A_449 = tpu.vector_load_idx %arg14[%add3A_157, %add3A_448] : memref<256x128xf32, #tpu.memory_space<vmem>>[vector<16xi32>, vector<16xi32>], vector<16xf32>,
        %add3A_450 = arith.constant 17 : i32
        %add3A_451 = vector.broadcast %add3A_450 : i32 to vector<16xi32>
        %add3A_452 = arith.addi %get3A_165, %add3A_451 : vector<16xi32>
        %gather3A_453 = tpu.vector_load_idx %arg15[%add3A_157, %add3A_452] : memref<256x128xf32, #tpu.memory_space<vmem>>[vector<16xi32>, vector<16xi32>], vector<16xf32>,
        %add3A_454 = arith.addf %gather3A_445, %gather3A_449 : vector<16xf32>
        %sub3A_455 = arith.subf %add3A_454, %gather3A_453 : vector<16xf32>
        %abs3A_456 = math.absf %sub3A_455 : vector<16xf32>
        %add3A_457 = arith.addf %add3A_393, %abs3A_456 : vector<16xf32>
        %add3A_458 = arith.constant 18 : i32
        %add3A_459 = vector.broadcast %add3A_458 : i32 to vector<16xi32>
        %add3A_460 = arith.addi %get3A_159, %add3A_459 : vector<16xi32>
        %gather3A_461 = tpu.vector_load_idx %arg13[%add3A_157, %add3A_460] : memref<256x128xf32, #tpu.memory_space<vmem>>[vector<16xi32>, vector<16xi32>], vector<16xf32>,
        %add3A_462 = arith.constant 18 : i32
        %add3A_463 = vector.broadcast %add3A_462 : i32 to vector<16xi32>
        %add3A_464 = arith.addi %get3A_162, %add3A_463 : vector<16xi32>
        %gather3A_465 = tpu.vector_load_idx %arg14[%add3A_157, %add3A_464] : memref<256x128xf32, #tpu.memory_space<vmem>>[vector<16xi32>, vector<16xi32>], vector<16xf32>,
        %add3A_466 = arith.constant 18 : i32
        %add3A_467 = vector.broadcast %add3A_466 : i32 to vector<16xi32>
        %add3A_468 = arith.addi %get3A_165, %add3A_467 : vector<16xi32>
        %gather3A_469 = tpu.vector_load_idx %arg15[%add3A_157, %add3A_468] : memref<256x128xf32, #tpu.memory_space<vmem>>[vector<16xi32>, vector<16xi32>], vector<16xf32>,
        %add3A_470 = arith.addf %gather3A_461, %gather3A_465 : vector<16xf32>
        %sub3A_471 = arith.subf %add3A_470, %gather3A_469 : vector<16xf32>
        %abs3A_472 = math.absf %sub3A_471 : vector<16xf32>
        %add3A_473 = arith.addf %add3A_409, %abs3A_472 : vector<16xf32>
        %add3A_474 = arith.constant 19 : i32
        %add3A_475 = vector.broadcast %add3A_474 : i32 to vector<16xi32>
        %add3A_476 = arith.addi %get3A_159, %add3A_475 : vector<16xi32>
        %gather3A_477 = tpu.vector_load_idx %arg13[%add3A_157, %add3A_476] : memref<256x128xf32, #tpu.memory_space<vmem>>[vector<16xi32>, vector<16xi32>], vector<16xf32>,
        %add3A_478 = arith.constant 19 : i32
        %add3A_479 = vector.broadcast %add3A_478 : i32 to vector<16xi32>
        %add3A_480 = arith.addi %get3A_162, %add3A_479 : vector<16xi32>
        %gather3A_481 = tpu.vector_load_idx %arg14[%add3A_157, %add3A_480] : memref<256x128xf32, #tpu.memory_space<vmem>>[vector<16xi32>, vector<16xi32>], vector<16xf32>,
        %add3A_482 = arith.constant 19 : i32
        %add3A_483 = vector.broadcast %add3A_482 : i32 to vector<16xi32>
        %add3A_484 = arith.addi %get3A_165, %add3A_483 : vector<16xi32>
        %gather3A_485 = tpu.vector_load_idx %arg15[%add3A_157, %add3A_484] : memref<256x128xf32, #tpu.memory_space<vmem>>[vector<16xi32>, vector<16xi32>], vector<16xf32>,
        %add3A_486 = arith.addf %gather3A_477, %gather3A_481 : vector<16xf32>
        %sub3A_487 = arith.subf %add3A_486, %gather3A_485 : vector<16xf32>
        %abs3A_488 = math.absf %sub3A_487 : vector<16xf32>
        %add3A_489 = arith.addf %add3A_425, %abs3A_488 : vector<16xf32>
        %add3A_490 = arith.constant 20 : i32
        %add3A_491 = vector.broadcast %add3A_490 : i32 to vector<16xi32>
        %add3A_492 = arith.addi %get3A_159, %add3A_491 : vector<16xi32>
        %gather3A_493 = tpu.vector_load_idx %arg13[%add3A_157, %add3A_492] : memref<256x128xf32, #tpu.memory_space<vmem>>[vector<16xi32>, vector<16xi32>], vector<16xf32>,
        %add3A_494 = arith.constant 20 : i32
        %add3A_495 = vector.broadcast %add3A_494 : i32 to vector<16xi32>
        %add3A_496 = arith.addi %get3A_162, %add3A_495 : vector<16xi32>
        %gather3A_497 = tpu.vector_load_idx %arg14[%add3A_157, %add3A_496] : memref<256x128xf32, #tpu.memory_space<vmem>>[vector<16xi32>, vector<16xi32>], vector<16xf32>,
        %add3A_498 = arith.constant 20 : i32
        %add3A_499 = vector.broadcast %add3A_498 : i32 to vector<16xi32>
        %add3A_500 = arith.addi %get3A_165, %add3A_499 : vector<16xi32>
        %gather3A_501 = tpu.vector_load_idx %arg15[%add3A_157, %add3A_500] : memref<256x128xf32, #tpu.memory_space<vmem>>[vector<16xi32>, vector<16xi32>], vector<16xf32>,
        %add3A_502 = arith.addf %gather3A_493, %gather3A_497 : vector<16xf32>
        %sub3A_503 = arith.subf %add3A_502, %gather3A_501 : vector<16xf32>
        %abs3A_504 = math.absf %sub3A_503 : vector<16xf32>
        %add3A_505 = arith.addf %add3A_441, %abs3A_504 : vector<16xf32>
        %add3A_506 = arith.constant 21 : i32
        %add3A_507 = vector.broadcast %add3A_506 : i32 to vector<16xi32>
        %add3A_508 = arith.addi %get3A_159, %add3A_507 : vector<16xi32>
        %gather3A_509 = tpu.vector_load_idx %arg13[%add3A_157, %add3A_508] : memref<256x128xf32, #tpu.memory_space<vmem>>[vector<16xi32>, vector<16xi32>], vector<16xf32>,
        %add3A_510 = arith.constant 21 : i32
        %add3A_511 = vector.broadcast %add3A_510 : i32 to vector<16xi32>
        %add3A_512 = arith.addi %get3A_162, %add3A_511 : vector<16xi32>
        %gather3A_513 = tpu.vector_load_idx %arg14[%add3A_157, %add3A_512] : memref<256x128xf32, #tpu.memory_space<vmem>>[vector<16xi32>, vector<16xi32>], vector<16xf32>,
        %add3A_514 = arith.constant 21 : i32
        %add3A_515 = vector.broadcast %add3A_514 : i32 to vector<16xi32>
        %add3A_516 = arith.addi %get3A_165, %add3A_515 : vector<16xi32>
        %gather3A_517 = tpu.vector_load_idx %arg15[%add3A_157, %add3A_516] : memref<256x128xf32, #tpu.memory_space<vmem>>[vector<16xi32>, vector<16xi32>], vector<16xf32>,
        %add3A_518 = arith.addf %gather3A_509, %gather3A_513 : vector<16xf32>
        %sub3A_519 = arith.subf %add3A_518, %gather3A_517 : vector<16xf32>
        %abs3A_520 = math.absf %sub3A_519 : vector<16xf32>
        %add3A_521 = arith.addf %add3A_457, %abs3A_520 : vector<16xf32>
        %add3A_522 = arith.constant 22 : i32
        %add3A_523 = vector.broadcast %add3A_522 : i32 to vector<16xi32>
        %add3A_524 = arith.addi %get3A_159, %add3A_523 : vector<16xi32>
        %gather3A_525 = tpu.vector_load_idx %arg13[%add3A_157, %add3A_524] : memref<256x128xf32, #tpu.memory_space<vmem>>[vector<16xi32>, vector<16xi32>], vector<16xf32>,
        %add3A_526 = arith.constant 22 : i32
        %add3A_527 = vector.broadcast %add3A_526 : i32 to vector<16xi32>
        %add3A_528 = arith.addi %get3A_162, %add3A_527 : vector<16xi32>
        %gather3A_529 = tpu.vector_load_idx %arg14[%add3A_157, %add3A_528] : memref<256x128xf32, #tpu.memory_space<vmem>>[vector<16xi32>, vector<16xi32>], vector<16xf32>,
        %add3A_530 = arith.constant 22 : i32
        %add3A_531 = vector.broadcast %add3A_530 : i32 to vector<16xi32>
        %add3A_532 = arith.addi %get3A_165, %add3A_531 : vector<16xi32>
        %gather3A_533 = tpu.vector_load_idx %arg15[%add3A_157, %add3A_532] : memref<256x128xf32, #tpu.memory_space<vmem>>[vector<16xi32>, vector<16xi32>], vector<16xf32>,
        %add3A_534 = arith.addf %gather3A_525, %gather3A_529 : vector<16xf32>
        %sub3A_535 = arith.subf %add3A_534, %gather3A_533 : vector<16xf32>
        %abs3A_536 = math.absf %sub3A_535 : vector<16xf32>
        %add3A_537 = arith.addf %add3A_473, %abs3A_536 : vector<16xf32>
        %add3A_538 = arith.constant 23 : i32
        %add3A_539 = vector.broadcast %add3A_538 : i32 to vector<16xi32>
        %add3A_540 = arith.addi %get3A_159, %add3A_539 : vector<16xi32>
        %gather3A_541 = tpu.vector_load_idx %arg13[%add3A_157, %add3A_540] : memref<256x128xf32, #tpu.memory_space<vmem>>[vector<16xi32>, vector<16xi32>], vector<16xf32>,
        %add3A_542 = arith.constant 23 : i32
        %add3A_543 = vector.broadcast %add3A_542 : i32 to vector<16xi32>
        %add3A_544 = arith.addi %get3A_162, %add3A_543 : vector<16xi32>
        %gather3A_545 = tpu.vector_load_idx %arg14[%add3A_157, %add3A_544] : memref<256x128xf32, #tpu.memory_space<vmem>>[vector<16xi32>, vector<16xi32>], vector<16xf32>,
        %add3A_546 = arith.constant 23 : i32
        %add3A_547 = vector.broadcast %add3A_546 : i32 to vector<16xi32>
        %add3A_548 = arith.addi %get3A_165, %add3A_547 : vector<16xi32>
        %gather3A_549 = tpu.vector_load_idx %arg15[%add3A_157, %add3A_548] : memref<256x128xf32, #tpu.memory_space<vmem>>[vector<16xi32>, vector<16xi32>], vector<16xf32>,
        %add3A_550 = arith.addf %gather3A_541, %gather3A_545 : vector<16xf32>
        %sub3A_551 = arith.subf %add3A_550, %gather3A_549 : vector<16xf32>
        %abs3A_552 = math.absf %sub3A_551 : vector<16xf32>
        %add3A_553 = arith.addf %add3A_489, %abs3A_552 : vector<16xf32>
        %add3A_554 = arith.constant 24 : i32
        %add3A_555 = vector.broadcast %add3A_554 : i32 to vector<16xi32>
        %add3A_556 = arith.addi %get3A_159, %add3A_555 : vector<16xi32>
        %gather3A_557 = tpu.vector_load_idx %arg13[%add3A_157, %add3A_556] : memref<256x128xf32, #tpu.memory_space<vmem>>[vector<16xi32>, vector<16xi32>], vector<16xf32>,
        %add3A_558 = arith.constant 24 : i32
        %add3A_559 = vector.broadcast %add3A_558 : i32 to vector<16xi32>
        %add3A_560 = arith.addi %get3A_162, %add3A_559 : vector<16xi32>
        %gather3A_561 = tpu.vector_load_idx %arg14[%add3A_157, %add3A_560] : memref<256x128xf32, #tpu.memory_space<vmem>>[vector<16xi32>, vector<16xi32>], vector<16xf32>,
        %add3A_562 = arith.constant 24 : i32
        %add3A_563 = vector.broadcast %add3A_562 : i32 to vector<16xi32>
        %add3A_564 = arith.addi %get3A_165, %add3A_563 : vector<16xi32>
        %gather3A_565 = tpu.vector_load_idx %arg15[%add3A_157, %add3A_564] : memref<256x128xf32, #tpu.memory_space<vmem>>[vector<16xi32>, vector<16xi32>], vector<16xf32>,
        %add3A_566 = arith.addf %gather3A_557, %gather3A_561 : vector<16xf32>
        %sub3A_567 = arith.subf %add3A_566, %gather3A_565 : vector<16xf32>
        %abs3A_568 = math.absf %sub3A_567 : vector<16xf32>
        %add3A_569 = arith.addf %add3A_505, %abs3A_568 : vector<16xf32>
        %add3A_570 = arith.constant 25 : i32
        %add3A_571 = vector.broadcast %add3A_570 : i32 to vector<16xi32>
        %add3A_572 = arith.addi %get3A_159, %add3A_571 : vector<16xi32>
        %gather3A_573 = tpu.vector_load_idx %arg13[%add3A_157, %add3A_572] : memref<256x128xf32, #tpu.memory_space<vmem>>[vector<16xi32>, vector<16xi32>], vector<16xf32>,
        %add3A_574 = arith.constant 25 : i32
        %add3A_575 = vector.broadcast %add3A_574 : i32 to vector<16xi32>
        %add3A_576 = arith.addi %get3A_162, %add3A_575 : vector<16xi32>
        %gather3A_577 = tpu.vector_load_idx %arg14[%add3A_157, %add3A_576] : memref<256x128xf32, #tpu.memory_space<vmem>>[vector<16xi32>, vector<16xi32>], vector<16xf32>,
        %add3A_578 = arith.constant 25 : i32
        %add3A_579 = vector.broadcast %add3A_578 : i32 to vector<16xi32>
        %add3A_580 = arith.addi %get3A_165, %add3A_579 : vector<16xi32>
        %gather3A_581 = tpu.vector_load_idx %arg15[%add3A_157, %add3A_580] : memref<256x128xf32, #tpu.memory_space<vmem>>[vector<16xi32>, vector<16xi32>], vector<16xf32>,
        %add3A_582 = arith.addf %gather3A_573, %gather3A_577 : vector<16xf32>
        %sub3A_583 = arith.subf %add3A_582, %gather3A_581 : vector<16xf32>
        %abs3A_584 = math.absf %sub3A_583 : vector<16xf32>
        %add3A_585 = arith.addf %add3A_521, %abs3A_584 : vector<16xf32>
        %add3A_586 = arith.constant 26 : i32
        %add3A_587 = vector.broadcast %add3A_586 : i32 to vector<16xi32>
        %add3A_588 = arith.addi %get3A_159, %add3A_587 : vector<16xi32>
        %gather3A_589 = tpu.vector_load_idx %arg13[%add3A_157, %add3A_588] : memref<256x128xf32, #tpu.memory_space<vmem>>[vector<16xi32>, vector<16xi32>], vector<16xf32>,
        %add3A_590 = arith.constant 26 : i32
        %add3A_591 = vector.broadcast %add3A_590 : i32 to vector<16xi32>
        %add3A_592 = arith.addi %get3A_162, %add3A_591 : vector<16xi32>
        %gather3A_593 = tpu.vector_load_idx %arg14[%add3A_157, %add3A_592] : memref<256x128xf32, #tpu.memory_space<vmem>>[vector<16xi32>, vector<16xi32>], vector<16xf32>,
        %add3A_594 = arith.constant 26 : i32
        %add3A_595 = vector.broadcast %add3A_594 : i32 to vector<16xi32>
        %add3A_596 = arith.addi %get3A_165, %add3A_595 : vector<16xi32>
        %gather3A_597 = tpu.vector_load_idx %arg15[%add3A_157, %add3A_596] : memref<256x128xf32, #tpu.memory_space<vmem>>[vector<16xi32>, vector<16xi32>], vector<16xf32>,
        %add3A_598 = arith.addf %gather3A_589, %gather3A_593 : vector<16xf32>
        %sub3A_599 = arith.subf %add3A_598, %gather3A_597 : vector<16xf32>
        %abs3A_600 = math.absf %sub3A_599 : vector<16xf32>
        %add3A_601 = arith.addf %add3A_537, %abs3A_600 : vector<16xf32>
        %add3A_602 = arith.constant 27 : i32
        %add3A_603 = vector.broadcast %add3A_602 : i32 to vector<16xi32>
        %add3A_604 = arith.addi %get3A_159, %add3A_603 : vector<16xi32>
        %gather3A_605 = tpu.vector_load_idx %arg13[%add3A_157, %add3A_604] : memref<256x128xf32, #tpu.memory_space<vmem>>[vector<16xi32>, vector<16xi32>], vector<16xf32>,
        %add3A_606 = arith.constant 27 : i32
        %add3A_607 = vector.broadcast %add3A_606 : i32 to vector<16xi32>
        %add3A_608 = arith.addi %get3A_162, %add3A_607 : vector<16xi32>
        %gather3A_609 = tpu.vector_load_idx %arg14[%add3A_157, %add3A_608] : memref<256x128xf32, #tpu.memory_space<vmem>>[vector<16xi32>, vector<16xi32>], vector<16xf32>,
        %add3A_610 = arith.constant 27 : i32
        %add3A_611 = vector.broadcast %add3A_610 : i32 to vector<16xi32>
        %add3A_612 = arith.addi %get3A_165, %add3A_611 : vector<16xi32>
        %gather3A_613 = tpu.vector_load_idx %arg15[%add3A_157, %add3A_612] : memref<256x128xf32, #tpu.memory_space<vmem>>[vector<16xi32>, vector<16xi32>], vector<16xf32>,
        %add3A_614 = arith.addf %gather3A_605, %gather3A_609 : vector<16xf32>
        %sub3A_615 = arith.subf %add3A_614, %gather3A_613 : vector<16xf32>
        %abs3A_616 = math.absf %sub3A_615 : vector<16xf32>
        %add3A_617 = arith.addf %add3A_553, %abs3A_616 : vector<16xf32>
        %add3A_618 = arith.constant 28 : i32
        %add3A_619 = vector.broadcast %add3A_618 : i32 to vector<16xi32>
        %add3A_620 = arith.addi %get3A_159, %add3A_619 : vector<16xi32>
        %gather3A_621 = tpu.vector_load_idx %arg13[%add3A_157, %add3A_620] : memref<256x128xf32, #tpu.memory_space<vmem>>[vector<16xi32>, vector<16xi32>], vector<16xf32>,
        %add3A_622 = arith.constant 28 : i32
        %add3A_623 = vector.broadcast %add3A_622 : i32 to vector<16xi32>
        %add3A_624 = arith.addi %get3A_162, %add3A_623 : vector<16xi32>
        %gather3A_625 = tpu.vector_load_idx %arg14[%add3A_157, %add3A_624] : memref<256x128xf32, #tpu.memory_space<vmem>>[vector<16xi32>, vector<16xi32>], vector<16xf32>,
        %add3A_626 = arith.constant 28 : i32
        %add3A_627 = vector.broadcast %add3A_626 : i32 to vector<16xi32>
        %add3A_628 = arith.addi %get3A_165, %add3A_627 : vector<16xi32>
        %gather3A_629 = tpu.vector_load_idx %arg15[%add3A_157, %add3A_628] : memref<256x128xf32, #tpu.memory_space<vmem>>[vector<16xi32>, vector<16xi32>], vector<16xf32>,
        %add3A_630 = arith.addf %gather3A_621, %gather3A_625 : vector<16xf32>
        %sub3A_631 = arith.subf %add3A_630, %gather3A_629 : vector<16xf32>
        %abs3A_632 = math.absf %sub3A_631 : vector<16xf32>
        %add3A_633 = arith.addf %add3A_569, %abs3A_632 : vector<16xf32>
        %add3A_634 = arith.constant 29 : i32
        %add3A_635 = vector.broadcast %add3A_634 : i32 to vector<16xi32>
        %add3A_636 = arith.addi %get3A_159, %add3A_635 : vector<16xi32>
        %gather3A_637 = tpu.vector_load_idx %arg13[%add3A_157, %add3A_636] : memref<256x128xf32, #tpu.memory_space<vmem>>[vector<16xi32>, vector<16xi32>], vector<16xf32>,
        %add3A_638 = arith.constant 29 : i32
        %add3A_639 = vector.broadcast %add3A_638 : i32 to vector<16xi32>
        %add3A_640 = arith.addi %get3A_162, %add3A_639 : vector<16xi32>
        %gather3A_641 = tpu.vector_load_idx %arg14[%add3A_157, %add3A_640] : memref<256x128xf32, #tpu.memory_space<vmem>>[vector<16xi32>, vector<16xi32>], vector<16xf32>,
        %add3A_642 = arith.constant 29 : i32
        %add3A_643 = vector.broadcast %add3A_642 : i32 to vector<16xi32>
        %add3A_644 = arith.addi %get3A_165, %add3A_643 : vector<16xi32>
        %gather3A_645 = tpu.vector_load_idx %arg15[%add3A_157, %add3A_644] : memref<256x128xf32, #tpu.memory_space<vmem>>[vector<16xi32>, vector<16xi32>], vector<16xf32>,
        %add3A_646 = arith.addf %gather3A_637, %gather3A_641 : vector<16xf32>
        %sub3A_647 = arith.subf %add3A_646, %gather3A_645 : vector<16xf32>
        %abs3A_648 = math.absf %sub3A_647 : vector<16xf32>
        %add3A_649 = arith.addf %add3A_585, %abs3A_648 : vector<16xf32>
        %add3A_650 = arith.constant 30 : i32
        %add3A_651 = vector.broadcast %add3A_650 : i32 to vector<16xi32>
        %add3A_652 = arith.addi %get3A_159, %add3A_651 : vector<16xi32>
        %gather3A_653 = tpu.vector_load_idx %arg13[%add3A_157, %add3A_652] : memref<256x128xf32, #tpu.memory_space<vmem>>[vector<16xi32>, vector<16xi32>], vector<16xf32>,
        %add3A_654 = arith.constant 30 : i32
        %add3A_655 = vector.broadcast %add3A_654 : i32 to vector<16xi32>
        %add3A_656 = arith.addi %get3A_162, %add3A_655 : vector<16xi32>
        %gather3A_657 = tpu.vector_load_idx %arg14[%add3A_157, %add3A_656] : memref<256x128xf32, #tpu.memory_space<vmem>>[vector<16xi32>, vector<16xi32>], vector<16xf32>,
        %add3A_658 = arith.constant 30 : i32
        %add3A_659 = vector.broadcast %add3A_658 : i32 to vector<16xi32>
        %add3A_660 = arith.addi %get3A_165, %add3A_659 : vector<16xi32>
        %gather3A_661 = tpu.vector_load_idx %arg15[%add3A_157, %add3A_660] : memref<256x128xf32, #tpu.memory_space<vmem>>[vector<16xi32>, vector<16xi32>], vector<16xf32>,
        %add3A_662 = arith.addf %gather3A_653, %gather3A_657 : vector<16xf32>
        %sub3A_663 = arith.subf %add3A_662, %gather3A_661 : vector<16xf32>
        %abs3A_664 = math.absf %sub3A_663 : vector<16xf32>
        %add3A_665 = arith.addf %add3A_601, %abs3A_664 : vector<16xf32>
        %add3A_666 = arith.constant 31 : i32
        %add3A_667 = vector.broadcast %add3A_666 : i32 to vector<16xi32>
        %add3A_668 = arith.addi %get3A_159, %add3A_667 : vector<16xi32>
        %gather3A_669 = tpu.vector_load_idx %arg13[%add3A_157, %add3A_668] : memref<256x128xf32, #tpu.memory_space<vmem>>[vector<16xi32>, vector<16xi32>], vector<16xf32>,
        %add3A_670 = arith.constant 31 : i32
        %add3A_671 = vector.broadcast %add3A_670 : i32 to vector<16xi32>
        %add3A_672 = arith.addi %get3A_162, %add3A_671 : vector<16xi32>
        %gather3A_673 = tpu.vector_load_idx %arg14[%add3A_157, %add3A_672] : memref<256x128xf32, #tpu.memory_space<vmem>>[vector<16xi32>, vector<16xi32>], vector<16xf32>,
        %add3A_674 = arith.constant 31 : i32
        %add3A_675 = vector.broadcast %add3A_674 : i32 to vector<16xi32>
        %add3A_676 = arith.addi %get3A_165, %add3A_675 : vector<16xi32>
        %gather3A_677 = tpu.vector_load_idx %arg15[%add3A_157, %add3A_676] : memref<256x128xf32, #tpu.memory_space<vmem>>[vector<16xi32>, vector<16xi32>], vector<16xf32>,
        %add3A_678 = arith.addf %gather3A_669, %gather3A_673 : vector<16xf32>
        %sub3A_679 = arith.subf %add3A_678, %gather3A_677 : vector<16xf32>
        %abs3A_680 = math.absf %sub3A_679 : vector<16xf32>
        %add3A_681 = arith.addf %add3A_617, %abs3A_680 : vector<16xf32>
        %add3A_682 = arith.constant 32 : i32
        %add3A_683 = vector.broadcast %add3A_682 : i32 to vector<16xi32>
        %add3A_684 = arith.addi %get3A_159, %add3A_683 : vector<16xi32>
        %gather3A_685 = tpu.vector_load_idx %arg13[%add3A_157, %add3A_684] : memref<256x128xf32, #tpu.memory_space<vmem>>[vector<16xi32>, vector<16xi32>], vector<16xf32>,
        %add3A_686 = arith.constant 32 : i32
        %add3A_687 = vector.broadcast %add3A_686 : i32 to vector<16xi32>
        %add3A_688 = arith.addi %get3A_162, %add3A_687 : vector<16xi32>
        %gather3A_689 = tpu.vector_load_idx %arg14[%add3A_157, %add3A_688] : memref<256x128xf32, #tpu.memory_space<vmem>>[vector<16xi32>, vector<16xi32>], vector<16xf32>,
        %add3A_690 = arith.constant 32 : i32
        %add3A_691 = vector.broadcast %add3A_690 : i32 to vector<16xi32>
        %add3A_692 = arith.addi %get3A_165, %add3A_691 : vector<16xi32>
        %gather3A_693 = tpu.vector_load_idx %arg15[%add3A_157, %add3A_692] : memref<256x128xf32, #tpu.memory_space<vmem>>[vector<16xi32>, vector<16xi32>], vector<16xf32>,
        %add3A_694 = arith.addf %gather3A_685, %gather3A_689 : vector<16xf32>
        %sub3A_695 = arith.subf %add3A_694, %gather3A_693 : vector<16xf32>
        %abs3A_696 = math.absf %sub3A_695 : vector<16xf32>
        %add3A_697 = arith.addf %add3A_633, %abs3A_696 : vector<16xf32>
        %add3A_698 = arith.constant 33 : i32
        %add3A_699 = vector.broadcast %add3A_698 : i32 to vector<16xi32>
        %add3A_700 = arith.addi %get3A_159, %add3A_699 : vector<16xi32>
        %gather3A_701 = tpu.vector_load_idx %arg13[%add3A_157, %add3A_700] : memref<256x128xf32, #tpu.memory_space<vmem>>[vector<16xi32>, vector<16xi32>], vector<16xf32>,
        %add3A_702 = arith.constant 33 : i32
        %add3A_703 = vector.broadcast %add3A_702 : i32 to vector<16xi32>
        %add3A_704 = arith.addi %get3A_162, %add3A_703 : vector<16xi32>
        %gather3A_705 = tpu.vector_load_idx %arg14[%add3A_157, %add3A_704] : memref<256x128xf32, #tpu.memory_space<vmem>>[vector<16xi32>, vector<16xi32>], vector<16xf32>,
        %add3A_706 = arith.constant 33 : i32
        %add3A_707 = vector.broadcast %add3A_706 : i32 to vector<16xi32>
        %add3A_708 = arith.addi %get3A_165, %add3A_707 : vector<16xi32>
        %gather3A_709 = tpu.vector_load_idx %arg15[%add3A_157, %add3A_708] : memref<256x128xf32, #tpu.memory_space<vmem>>[vector<16xi32>, vector<16xi32>], vector<16xf32>,
        %add3A_710 = arith.addf %gather3A_701, %gather3A_705 : vector<16xf32>
        %sub3A_711 = arith.subf %add3A_710, %gather3A_709 : vector<16xf32>
        %abs3A_712 = math.absf %sub3A_711 : vector<16xf32>
        %add3A_713 = arith.addf %add3A_649, %abs3A_712 : vector<16xf32>
        %add3A_714 = arith.constant 34 : i32
        %add3A_715 = vector.broadcast %add3A_714 : i32 to vector<16xi32>
        %add3A_716 = arith.addi %get3A_159, %add3A_715 : vector<16xi32>
        %gather3A_717 = tpu.vector_load_idx %arg13[%add3A_157, %add3A_716] : memref<256x128xf32, #tpu.memory_space<vmem>>[vector<16xi32>, vector<16xi32>], vector<16xf32>,
        %add3A_718 = arith.constant 34 : i32
        %add3A_719 = vector.broadcast %add3A_718 : i32 to vector<16xi32>
        %add3A_720 = arith.addi %get3A_162, %add3A_719 : vector<16xi32>
        %gather3A_721 = tpu.vector_load_idx %arg14[%add3A_157, %add3A_720] : memref<256x128xf32, #tpu.memory_space<vmem>>[vector<16xi32>, vector<16xi32>], vector<16xf32>,
        %add3A_722 = arith.constant 34 : i32
        %add3A_723 = vector.broadcast %add3A_722 : i32 to vector<16xi32>
        %add3A_724 = arith.addi %get3A_165, %add3A_723 : vector<16xi32>
        %gather3A_725 = tpu.vector_load_idx %arg15[%add3A_157, %add3A_724] : memref<256x128xf32, #tpu.memory_space<vmem>>[vector<16xi32>, vector<16xi32>], vector<16xf32>,
        %add3A_726 = arith.addf %gather3A_717, %gather3A_721 : vector<16xf32>
        %sub3A_727 = arith.subf %add3A_726, %gather3A_725 : vector<16xf32>
        %abs3A_728 = math.absf %sub3A_727 : vector<16xf32>
        %add3A_729 = arith.addf %add3A_665, %abs3A_728 : vector<16xf32>
        %add3A_730 = arith.constant 35 : i32
        %add3A_731 = vector.broadcast %add3A_730 : i32 to vector<16xi32>
        %add3A_732 = arith.addi %get3A_159, %add3A_731 : vector<16xi32>
        %gather3A_733 = tpu.vector_load_idx %arg13[%add3A_157, %add3A_732] : memref<256x128xf32, #tpu.memory_space<vmem>>[vector<16xi32>, vector<16xi32>], vector<16xf32>,
        %add3A_734 = arith.constant 35 : i32
        %add3A_735 = vector.broadcast %add3A_734 : i32 to vector<16xi32>
        %add3A_736 = arith.addi %get3A_162, %add3A_735 : vector<16xi32>
        %gather3A_737 = tpu.vector_load_idx %arg14[%add3A_157, %add3A_736] : memref<256x128xf32, #tpu.memory_space<vmem>>[vector<16xi32>, vector<16xi32>], vector<16xf32>,
        %add3A_738 = arith.constant 35 : i32
        %add3A_739 = vector.broadcast %add3A_738 : i32 to vector<16xi32>
        %add3A_740 = arith.addi %get3A_165, %add3A_739 : vector<16xi32>
        %gather3A_741 = tpu.vector_load_idx %arg15[%add3A_157, %add3A_740] : memref<256x128xf32, #tpu.memory_space<vmem>>[vector<16xi32>, vector<16xi32>], vector<16xf32>,
        %add3A_742 = arith.addf %gather3A_733, %gather3A_737 : vector<16xf32>
        %sub3A_743 = arith.subf %add3A_742, %gather3A_741 : vector<16xf32>
        %abs3A_744 = math.absf %sub3A_743 : vector<16xf32>
        %add3A_745 = arith.addf %add3A_681, %abs3A_744 : vector<16xf32>
        %add3A_746 = arith.constant 36 : i32
        %add3A_747 = vector.broadcast %add3A_746 : i32 to vector<16xi32>
        %add3A_748 = arith.addi %get3A_159, %add3A_747 : vector<16xi32>
        %gather3A_749 = tpu.vector_load_idx %arg13[%add3A_157, %add3A_748] : memref<256x128xf32, #tpu.memory_space<vmem>>[vector<16xi32>, vector<16xi32>], vector<16xf32>,
        %add3A_750 = arith.constant 36 : i32
        %add3A_751 = vector.broadcast %add3A_750 : i32 to vector<16xi32>
        %add3A_752 = arith.addi %get3A_162, %add3A_751 : vector<16xi32>
        %gather3A_753 = tpu.vector_load_idx %arg14[%add3A_157, %add3A_752] : memref<256x128xf32, #tpu.memory_space<vmem>>[vector<16xi32>, vector<16xi32>], vector<16xf32>,
        %add3A_754 = arith.constant 36 : i32
        %add3A_755 = vector.broadcast %add3A_754 : i32 to vector<16xi32>
        %add3A_756 = arith.addi %get3A_165, %add3A_755 : vector<16xi32>
        %gather3A_757 = tpu.vector_load_idx %arg15[%add3A_157, %add3A_756] : memref<256x128xf32, #tpu.memory_space<vmem>>[vector<16xi32>, vector<16xi32>], vector<16xf32>,
        %add3A_758 = arith.addf %gather3A_749, %gather3A_753 : vector<16xf32>
        %sub3A_759 = arith.subf %add3A_758, %gather3A_757 : vector<16xf32>
        %abs3A_760 = math.absf %sub3A_759 : vector<16xf32>
        %add3A_761 = arith.addf %add3A_697, %abs3A_760 : vector<16xf32>
        %add3A_762 = arith.constant 37 : i32
        %add3A_763 = vector.broadcast %add3A_762 : i32 to vector<16xi32>
        %add3A_764 = arith.addi %get3A_159, %add3A_763 : vector<16xi32>
        %gather3A_765 = tpu.vector_load_idx %arg13[%add3A_157, %add3A_764] : memref<256x128xf32, #tpu.memory_space<vmem>>[vector<16xi32>, vector<16xi32>], vector<16xf32>,
        %add3A_766 = arith.constant 37 : i32
        %add3A_767 = vector.broadcast %add3A_766 : i32 to vector<16xi32>
        %add3A_768 = arith.addi %get3A_162, %add3A_767 : vector<16xi32>
        %gather3A_769 = tpu.vector_load_idx %arg14[%add3A_157, %add3A_768] : memref<256x128xf32, #tpu.memory_space<vmem>>[vector<16xi32>, vector<16xi32>], vector<16xf32>,
        %add3A_770 = arith.constant 37 : i32
        %add3A_771 = vector.broadcast %add3A_770 : i32 to vector<16xi32>
        %add3A_772 = arith.addi %get3A_165, %add3A_771 : vector<16xi32>
        %gather3A_773 = tpu.vector_load_idx %arg15[%add3A_157, %add3A_772] : memref<256x128xf32, #tpu.memory_space<vmem>>[vector<16xi32>, vector<16xi32>], vector<16xf32>,
        %add3A_774 = arith.addf %gather3A_765, %gather3A_769 : vector<16xf32>
        %sub3A_775 = arith.subf %add3A_774, %gather3A_773 : vector<16xf32>
        %abs3A_776 = math.absf %sub3A_775 : vector<16xf32>
        %add3A_777 = arith.addf %add3A_713, %abs3A_776 : vector<16xf32>
        %add3A_778 = arith.constant 38 : i32
        %add3A_779 = vector.broadcast %add3A_778 : i32 to vector<16xi32>
        %add3A_780 = arith.addi %get3A_159, %add3A_779 : vector<16xi32>
        %gather3A_781 = tpu.vector_load_idx %arg13[%add3A_157, %add3A_780] : memref<256x128xf32, #tpu.memory_space<vmem>>[vector<16xi32>, vector<16xi32>], vector<16xf32>,
        %add3A_782 = arith.constant 38 : i32
        %add3A_783 = vector.broadcast %add3A_782 : i32 to vector<16xi32>
        %add3A_784 = arith.addi %get3A_162, %add3A_783 : vector<16xi32>
        %gather3A_785 = tpu.vector_load_idx %arg14[%add3A_157, %add3A_784] : memref<256x128xf32, #tpu.memory_space<vmem>>[vector<16xi32>, vector<16xi32>], vector<16xf32>,
        %add3A_786 = arith.constant 38 : i32
        %add3A_787 = vector.broadcast %add3A_786 : i32 to vector<16xi32>
        %add3A_788 = arith.addi %get3A_165, %add3A_787 : vector<16xi32>
        %gather3A_789 = tpu.vector_load_idx %arg15[%add3A_157, %add3A_788] : memref<256x128xf32, #tpu.memory_space<vmem>>[vector<16xi32>, vector<16xi32>], vector<16xf32>,
        %add3A_790 = arith.addf %gather3A_781, %gather3A_785 : vector<16xf32>
        %sub3A_791 = arith.subf %add3A_790, %gather3A_789 : vector<16xf32>
        %abs3A_792 = math.absf %sub3A_791 : vector<16xf32>
        %add3A_793 = arith.addf %add3A_729, %abs3A_792 : vector<16xf32>
        %add3A_794 = arith.constant 39 : i32
        %add3A_795 = vector.broadcast %add3A_794 : i32 to vector<16xi32>
        %add3A_796 = arith.addi %get3A_159, %add3A_795 : vector<16xi32>
        %gather3A_797 = tpu.vector_load_idx %arg13[%add3A_157, %add3A_796] : memref<256x128xf32, #tpu.memory_space<vmem>>[vector<16xi32>, vector<16xi32>], vector<16xf32>,
        %add3A_798 = arith.constant 39 : i32
        %add3A_799 = vector.broadcast %add3A_798 : i32 to vector<16xi32>
        %add3A_800 = arith.addi %get3A_162, %add3A_799 : vector<16xi32>
        %gather3A_801 = tpu.vector_load_idx %arg14[%add3A_157, %add3A_800] : memref<256x128xf32, #tpu.memory_space<vmem>>[vector<16xi32>, vector<16xi32>], vector<16xf32>,
        %add3A_802 = arith.constant 39 : i32
        %add3A_803 = vector.broadcast %add3A_802 : i32 to vector<16xi32>
        %add3A_804 = arith.addi %get3A_165, %add3A_803 : vector<16xi32>
        %gather3A_805 = tpu.vector_load_idx %arg15[%add3A_157, %add3A_804] : memref<256x128xf32, #tpu.memory_space<vmem>>[vector<16xi32>, vector<16xi32>], vector<16xf32>,
        %add3A_806 = arith.addf %gather3A_797, %gather3A_801 : vector<16xf32>
        %sub3A_807 = arith.subf %add3A_806, %gather3A_805 : vector<16xf32>
        %abs3A_808 = math.absf %sub3A_807 : vector<16xf32>
        %add3A_809 = arith.addf %add3A_745, %abs3A_808 : vector<16xf32>
        %add3A_810 = arith.constant 40 : i32
        %add3A_811 = vector.broadcast %add3A_810 : i32 to vector<16xi32>
        %add3A_812 = arith.addi %get3A_159, %add3A_811 : vector<16xi32>
        %gather3A_813 = tpu.vector_load_idx %arg13[%add3A_157, %add3A_812] : memref<256x128xf32, #tpu.memory_space<vmem>>[vector<16xi32>, vector<16xi32>], vector<16xf32>,
        %add3A_814 = arith.constant 40 : i32
        %add3A_815 = vector.broadcast %add3A_814 : i32 to vector<16xi32>
        %add3A_816 = arith.addi %get3A_162, %add3A_815 : vector<16xi32>
        %gather3A_817 = tpu.vector_load_idx %arg14[%add3A_157, %add3A_816] : memref<256x128xf32, #tpu.memory_space<vmem>>[vector<16xi32>, vector<16xi32>], vector<16xf32>,
        %add3A_818 = arith.constant 40 : i32
        %add3A_819 = vector.broadcast %add3A_818 : i32 to vector<16xi32>
        %add3A_820 = arith.addi %get3A_165, %add3A_819 : vector<16xi32>
        %gather3A_821 = tpu.vector_load_idx %arg15[%add3A_157, %add3A_820] : memref<256x128xf32, #tpu.memory_space<vmem>>[vector<16xi32>, vector<16xi32>], vector<16xf32>,
        %add3A_822 = arith.addf %gather3A_813, %gather3A_817 : vector<16xf32>
        %sub3A_823 = arith.subf %add3A_822, %gather3A_821 : vector<16xf32>
        %abs3A_824 = math.absf %sub3A_823 : vector<16xf32>
        %add3A_825 = arith.addf %add3A_761, %abs3A_824 : vector<16xf32>
        %add3A_826 = arith.constant 41 : i32
        %add3A_827 = vector.broadcast %add3A_826 : i32 to vector<16xi32>
        %add3A_828 = arith.addi %get3A_159, %add3A_827 : vector<16xi32>
        %gather3A_829 = tpu.vector_load_idx %arg13[%add3A_157, %add3A_828] : memref<256x128xf32, #tpu.memory_space<vmem>>[vector<16xi32>, vector<16xi32>], vector<16xf32>,
        %add3A_830 = arith.constant 41 : i32
        %add3A_831 = vector.broadcast %add3A_830 : i32 to vector<16xi32>
        %add3A_832 = arith.addi %get3A_162, %add3A_831 : vector<16xi32>
        %gather3A_833 = tpu.vector_load_idx %arg14[%add3A_157, %add3A_832] : memref<256x128xf32, #tpu.memory_space<vmem>>[vector<16xi32>, vector<16xi32>], vector<16xf32>,
        %add3A_834 = arith.constant 41 : i32
        %add3A_835 = vector.broadcast %add3A_834 : i32 to vector<16xi32>
        %add3A_836 = arith.addi %get3A_165, %add3A_835 : vector<16xi32>
        %gather3A_837 = tpu.vector_load_idx %arg15[%add3A_157, %add3A_836] : memref<256x128xf32, #tpu.memory_space<vmem>>[vector<16xi32>, vector<16xi32>], vector<16xf32>,
        %add3A_838 = arith.addf %gather3A_829, %gather3A_833 : vector<16xf32>
        %sub3A_839 = arith.subf %add3A_838, %gather3A_837 : vector<16xf32>
        %abs3A_840 = math.absf %sub3A_839 : vector<16xf32>
        %add3A_841 = arith.addf %add3A_777, %abs3A_840 : vector<16xf32>
        %add3A_842 = arith.constant 42 : i32
        %add3A_843 = vector.broadcast %add3A_842 : i32 to vector<16xi32>
        %add3A_844 = arith.addi %get3A_159, %add3A_843 : vector<16xi32>
        %gather3A_845 = tpu.vector_load_idx %arg13[%add3A_157, %add3A_844] : memref<256x128xf32, #tpu.memory_space<vmem>>[vector<16xi32>, vector<16xi32>], vector<16xf32>,
        %add3A_846 = arith.constant 42 : i32
        %add3A_847 = vector.broadcast %add3A_846 : i32 to vector<16xi32>
        %add3A_848 = arith.addi %get3A_162, %add3A_847 : vector<16xi32>
        %gather3A_849 = tpu.vector_load_idx %arg14[%add3A_157, %add3A_848] : memref<256x128xf32, #tpu.memory_space<vmem>>[vector<16xi32>, vector<16xi32>], vector<16xf32>,
        %add3A_850 = arith.constant 42 : i32
        %add3A_851 = vector.broadcast %add3A_850 : i32 to vector<16xi32>
        %add3A_852 = arith.addi %get3A_165, %add3A_851 : vector<16xi32>
        %gather3A_853 = tpu.vector_load_idx %arg15[%add3A_157, %add3A_852] : memref<256x128xf32, #tpu.memory_space<vmem>>[vector<16xi32>, vector<16xi32>], vector<16xf32>,
        %add3A_854 = arith.addf %gather3A_845, %gather3A_849 : vector<16xf32>
        %sub3A_855 = arith.subf %add3A_854, %gather3A_853 : vector<16xf32>
        %abs3A_856 = math.absf %sub3A_855 : vector<16xf32>
        %add3A_857 = arith.addf %add3A_793, %abs3A_856 : vector<16xf32>
        %add3A_858 = arith.constant 43 : i32
        %add3A_859 = vector.broadcast %add3A_858 : i32 to vector<16xi32>
        %add3A_860 = arith.addi %get3A_159, %add3A_859 : vector<16xi32>
        %gather3A_861 = tpu.vector_load_idx %arg13[%add3A_157, %add3A_860] : memref<256x128xf32, #tpu.memory_space<vmem>>[vector<16xi32>, vector<16xi32>], vector<16xf32>,
        %add3A_862 = arith.constant 43 : i32
        %add3A_863 = vector.broadcast %add3A_862 : i32 to vector<16xi32>
        %add3A_864 = arith.addi %get3A_162, %add3A_863 : vector<16xi32>
        %gather3A_865 = tpu.vector_load_idx %arg14[%add3A_157, %add3A_864] : memref<256x128xf32, #tpu.memory_space<vmem>>[vector<16xi32>, vector<16xi32>], vector<16xf32>,
        %add3A_866 = arith.constant 43 : i32
        %add3A_867 = vector.broadcast %add3A_866 : i32 to vector<16xi32>
        %add3A_868 = arith.addi %get3A_165, %add3A_867 : vector<16xi32>
        %gather3A_869 = tpu.vector_load_idx %arg15[%add3A_157, %add3A_868] : memref<256x128xf32, #tpu.memory_space<vmem>>[vector<16xi32>, vector<16xi32>], vector<16xf32>,
        %add3A_870 = arith.addf %gather3A_861, %gather3A_865 : vector<16xf32>
        %sub3A_871 = arith.subf %add3A_870, %gather3A_869 : vector<16xf32>
        %abs3A_872 = math.absf %sub3A_871 : vector<16xf32>
        %add3A_873 = arith.addf %add3A_809, %abs3A_872 : vector<16xf32>
        %add3A_874 = arith.constant 44 : i32
        %add3A_875 = vector.broadcast %add3A_874 : i32 to vector<16xi32>
        %add3A_876 = arith.addi %get3A_159, %add3A_875 : vector<16xi32>
        %gather3A_877 = tpu.vector_load_idx %arg13[%add3A_157, %add3A_876] : memref<256x128xf32, #tpu.memory_space<vmem>>[vector<16xi32>, vector<16xi32>], vector<16xf32>,
        %add3A_878 = arith.constant 44 : i32
        %add3A_879 = vector.broadcast %add3A_878 : i32 to vector<16xi32>
        %add3A_880 = arith.addi %get3A_162, %add3A_879 : vector<16xi32>
        %gather3A_881 = tpu.vector_load_idx %arg14[%add3A_157, %add3A_880] : memref<256x128xf32, #tpu.memory_space<vmem>>[vector<16xi32>, vector<16xi32>], vector<16xf32>,
        %add3A_882 = arith.constant 44 : i32
        %add3A_883 = vector.broadcast %add3A_882 : i32 to vector<16xi32>
        %add3A_884 = arith.addi %get3A_165, %add3A_883 : vector<16xi32>
        %gather3A_885 = tpu.vector_load_idx %arg15[%add3A_157, %add3A_884] : memref<256x128xf32, #tpu.memory_space<vmem>>[vector<16xi32>, vector<16xi32>], vector<16xf32>,
        %add3A_886 = arith.addf %gather3A_877, %gather3A_881 : vector<16xf32>
        %sub3A_887 = arith.subf %add3A_886, %gather3A_885 : vector<16xf32>
        %abs3A_888 = math.absf %sub3A_887 : vector<16xf32>
        %add3A_889 = arith.addf %add3A_825, %abs3A_888 : vector<16xf32>
        %add3A_890 = arith.constant 45 : i32
        %add3A_891 = vector.broadcast %add3A_890 : i32 to vector<16xi32>
        %add3A_892 = arith.addi %get3A_159, %add3A_891 : vector<16xi32>
        %gather3A_893 = tpu.vector_load_idx %arg13[%add3A_157, %add3A_892] : memref<256x128xf32, #tpu.memory_space<vmem>>[vector<16xi32>, vector<16xi32>], vector<16xf32>,
        %add3A_894 = arith.constant 45 : i32
        %add3A_895 = vector.broadcast %add3A_894 : i32 to vector<16xi32>
        %add3A_896 = arith.addi %get3A_162, %add3A_895 : vector<16xi32>
        %gather3A_897 = tpu.vector_load_idx %arg14[%add3A_157, %add3A_896] : memref<256x128xf32, #tpu.memory_space<vmem>>[vector<16xi32>, vector<16xi32>], vector<16xf32>,
        %add3A_898 = arith.constant 45 : i32
        %add3A_899 = vector.broadcast %add3A_898 : i32 to vector<16xi32>
        %add3A_900 = arith.addi %get3A_165, %add3A_899 : vector<16xi32>
        %gather3A_901 = tpu.vector_load_idx %arg15[%add3A_157, %add3A_900] : memref<256x128xf32, #tpu.memory_space<vmem>>[vector<16xi32>, vector<16xi32>], vector<16xf32>,
        %add3A_902 = arith.addf %gather3A_893, %gather3A_897 : vector<16xf32>
        %sub3A_903 = arith.subf %add3A_902, %gather3A_901 : vector<16xf32>
        %abs3A_904 = math.absf %sub3A_903 : vector<16xf32>
        %add3A_905 = arith.addf %add3A_841, %abs3A_904 : vector<16xf32>
        %add3A_906 = arith.constant 46 : i32
        %add3A_907 = vector.broadcast %add3A_906 : i32 to vector<16xi32>
        %add3A_908 = arith.addi %get3A_159, %add3A_907 : vector<16xi32>
        %gather3A_909 = tpu.vector_load_idx %arg13[%add3A_157, %add3A_908] : memref<256x128xf32, #tpu.memory_space<vmem>>[vector<16xi32>, vector<16xi32>], vector<16xf32>,
        %add3A_910 = arith.constant 46 : i32
        %add3A_911 = vector.broadcast %add3A_910 : i32 to vector<16xi32>
        %add3A_912 = arith.addi %get3A_162, %add3A_911 : vector<16xi32>
        %gather3A_913 = tpu.vector_load_idx %arg14[%add3A_157, %add3A_912] : memref<256x128xf32, #tpu.memory_space<vmem>>[vector<16xi32>, vector<16xi32>], vector<16xf32>,
        %add3A_914 = arith.constant 46 : i32
        %add3A_915 = vector.broadcast %add3A_914 : i32 to vector<16xi32>
        %add3A_916 = arith.addi %get3A_165, %add3A_915 : vector<16xi32>
        %gather3A_917 = tpu.vector_load_idx %arg15[%add3A_157, %add3A_916] : memref<256x128xf32, #tpu.memory_space<vmem>>[vector<16xi32>, vector<16xi32>], vector<16xf32>,
        %add3A_918 = arith.addf %gather3A_909, %gather3A_913 : vector<16xf32>
        %sub3A_919 = arith.subf %add3A_918, %gather3A_917 : vector<16xf32>
        %abs3A_920 = math.absf %sub3A_919 : vector<16xf32>
        %add3A_921 = arith.addf %add3A_857, %abs3A_920 : vector<16xf32>
        %add3A_922 = arith.constant 47 : i32
        %add3A_923 = vector.broadcast %add3A_922 : i32 to vector<16xi32>
        %add3A_924 = arith.addi %get3A_159, %add3A_923 : vector<16xi32>
        %gather3A_925 = tpu.vector_load_idx %arg13[%add3A_157, %add3A_924] : memref<256x128xf32, #tpu.memory_space<vmem>>[vector<16xi32>, vector<16xi32>], vector<16xf32>,
        %add3A_926 = arith.constant 47 : i32
        %add3A_927 = vector.broadcast %add3A_926 : i32 to vector<16xi32>
        %add3A_928 = arith.addi %get3A_162, %add3A_927 : vector<16xi32>
        %gather3A_929 = tpu.vector_load_idx %arg14[%add3A_157, %add3A_928] : memref<256x128xf32, #tpu.memory_space<vmem>>[vector<16xi32>, vector<16xi32>], vector<16xf32>,
        %add3A_930 = arith.constant 47 : i32
        %add3A_931 = vector.broadcast %add3A_930 : i32 to vector<16xi32>
        %add3A_932 = arith.addi %get3A_165, %add3A_931 : vector<16xi32>
        %gather3A_933 = tpu.vector_load_idx %arg15[%add3A_157, %add3A_932] : memref<256x128xf32, #tpu.memory_space<vmem>>[vector<16xi32>, vector<16xi32>], vector<16xf32>,
        %add3A_934 = arith.addf %gather3A_925, %gather3A_929 : vector<16xf32>
        %sub3A_935 = arith.subf %add3A_934, %gather3A_933 : vector<16xf32>
        %abs3A_936 = math.absf %sub3A_935 : vector<16xf32>
        %add3A_937 = arith.addf %add3A_873, %abs3A_936 : vector<16xf32>
        %add3A_938 = arith.constant 48 : i32
        %add3A_939 = vector.broadcast %add3A_938 : i32 to vector<16xi32>
        %add3A_940 = arith.addi %get3A_159, %add3A_939 : vector<16xi32>
        %gather3A_941 = tpu.vector_load_idx %arg13[%add3A_157, %add3A_940] : memref<256x128xf32, #tpu.memory_space<vmem>>[vector<16xi32>, vector<16xi32>], vector<16xf32>,
        %add3A_942 = arith.constant 48 : i32
        %add3A_943 = vector.broadcast %add3A_942 : i32 to vector<16xi32>
        %add3A_944 = arith.addi %get3A_162, %add3A_943 : vector<16xi32>
        %gather3A_945 = tpu.vector_load_idx %arg14[%add3A_157, %add3A_944] : memref<256x128xf32, #tpu.memory_space<vmem>>[vector<16xi32>, vector<16xi32>], vector<16xf32>,
        %add3A_946 = arith.constant 48 : i32
        %add3A_947 = vector.broadcast %add3A_946 : i32 to vector<16xi32>
        %add3A_948 = arith.addi %get3A_165, %add3A_947 : vector<16xi32>
        %gather3A_949 = tpu.vector_load_idx %arg15[%add3A_157, %add3A_948] : memref<256x128xf32, #tpu.memory_space<vmem>>[vector<16xi32>, vector<16xi32>], vector<16xf32>,
        %add3A_950 = arith.addf %gather3A_941, %gather3A_945 : vector<16xf32>
        %sub3A_951 = arith.subf %add3A_950, %gather3A_949 : vector<16xf32>
        %abs3A_952 = math.absf %sub3A_951 : vector<16xf32>
        %add3A_953 = arith.addf %add3A_889, %abs3A_952 : vector<16xf32>
        %add3A_954 = arith.constant 49 : i32
        %add3A_955 = vector.broadcast %add3A_954 : i32 to vector<16xi32>
        %add3A_956 = arith.addi %get3A_159, %add3A_955 : vector<16xi32>
        %gather3A_957 = tpu.vector_load_idx %arg13[%add3A_157, %add3A_956] : memref<256x128xf32, #tpu.memory_space<vmem>>[vector<16xi32>, vector<16xi32>], vector<16xf32>,
        %add3A_958 = arith.constant 49 : i32
        %add3A_959 = vector.broadcast %add3A_958 : i32 to vector<16xi32>
        %add3A_960 = arith.addi %get3A_162, %add3A_959 : vector<16xi32>
        %gather3A_961 = tpu.vector_load_idx %arg14[%add3A_157, %add3A_960] : memref<256x128xf32, #tpu.memory_space<vmem>>[vector<16xi32>, vector<16xi32>], vector<16xf32>,
        %add3A_962 = arith.constant 49 : i32
        %add3A_963 = vector.broadcast %add3A_962 : i32 to vector<16xi32>
        %add3A_964 = arith.addi %get3A_165, %add3A_963 : vector<16xi32>
        %gather3A_965 = tpu.vector_load_idx %arg15[%add3A_157, %add3A_964] : memref<256x128xf32, #tpu.memory_space<vmem>>[vector<16xi32>, vector<16xi32>], vector<16xf32>,
        %add3A_966 = arith.addf %gather3A_957, %gather3A_961 : vector<16xf32>
        %sub3A_967 = arith.subf %add3A_966, %gather3A_965 : vector<16xf32>
        %abs3A_968 = math.absf %sub3A_967 : vector<16xf32>
        %add3A_969 = arith.addf %add3A_905, %abs3A_968 : vector<16xf32>
        %add3A_970 = arith.constant 50 : i32
        %add3A_971 = vector.broadcast %add3A_970 : i32 to vector<16xi32>
        %add3A_972 = arith.addi %get3A_159, %add3A_971 : vector<16xi32>
        %gather3A_973 = tpu.vector_load_idx %arg13[%add3A_157, %add3A_972] : memref<256x128xf32, #tpu.memory_space<vmem>>[vector<16xi32>, vector<16xi32>], vector<16xf32>,
        %add3A_974 = arith.constant 50 : i32
        %add3A_975 = vector.broadcast %add3A_974 : i32 to vector<16xi32>
        %add3A_976 = arith.addi %get3A_162, %add3A_975 : vector<16xi32>
        %gather3A_977 = tpu.vector_load_idx %arg14[%add3A_157, %add3A_976] : memref<256x128xf32, #tpu.memory_space<vmem>>[vector<16xi32>, vector<16xi32>], vector<16xf32>,
        %add3A_978 = arith.constant 50 : i32
        %add3A_979 = vector.broadcast %add3A_978 : i32 to vector<16xi32>
        %add3A_980 = arith.addi %get3A_165, %add3A_979 : vector<16xi32>
        %gather3A_981 = tpu.vector_load_idx %arg15[%add3A_157, %add3A_980] : memref<256x128xf32, #tpu.memory_space<vmem>>[vector<16xi32>, vector<16xi32>], vector<16xf32>,
        %add3A_982 = arith.addf %gather3A_973, %gather3A_977 : vector<16xf32>
        %sub3A_983 = arith.subf %add3A_982, %gather3A_981 : vector<16xf32>
        %abs3A_984 = math.absf %sub3A_983 : vector<16xf32>
        %add3A_985 = arith.addf %add3A_921, %abs3A_984 : vector<16xf32>
        %add3A_986 = arith.constant 51 : i32
        %add3A_987 = vector.broadcast %add3A_986 : i32 to vector<16xi32>
        %add3A_988 = arith.addi %get3A_159, %add3A_987 : vector<16xi32>
        %gather3A_989 = tpu.vector_load_idx %arg13[%add3A_157, %add3A_988] : memref<256x128xf32, #tpu.memory_space<vmem>>[vector<16xi32>, vector<16xi32>], vector<16xf32>,
        %add3A_990 = arith.constant 51 : i32
        %add3A_991 = vector.broadcast %add3A_990 : i32 to vector<16xi32>
        %add3A_992 = arith.addi %get3A_162, %add3A_991 : vector<16xi32>
        %gather3A_993 = tpu.vector_load_idx %arg14[%add3A_157, %add3A_992] : memref<256x128xf32, #tpu.memory_space<vmem>>[vector<16xi32>, vector<16xi32>], vector<16xf32>,
        %add3A_994 = arith.constant 51 : i32
        %add3A_995 = vector.broadcast %add3A_994 : i32 to vector<16xi32>
        %add3A_996 = arith.addi %get3A_165, %add3A_995 : vector<16xi32>
        %gather3A_997 = tpu.vector_load_idx %arg15[%add3A_157, %add3A_996] : memref<256x128xf32, #tpu.memory_space<vmem>>[vector<16xi32>, vector<16xi32>], vector<16xf32>,
        %add3A_998 = arith.addf %gather3A_989, %gather3A_993 : vector<16xf32>
        %sub3A_999 = arith.subf %add3A_998, %gather3A_997 : vector<16xf32>
        %abs3A_1000 = math.absf %sub3A_999 : vector<16xf32>
        %add3A_1001 = arith.addf %add3A_937, %abs3A_1000 : vector<16xf32>
        %add3A_1002 = arith.constant 52 : i32
        %add3A_1003 = vector.broadcast %add3A_1002 : i32 to vector<16xi32>
        %add3A_1004 = arith.addi %get3A_159, %add3A_1003 : vector<16xi32>
        %gather3A_1005 = tpu.vector_load_idx %arg13[%add3A_157, %add3A_1004] : memref<256x128xf32, #tpu.memory_space<vmem>>[vector<16xi32>, vector<16xi32>], vector<16xf32>,
        %add3A_1006 = arith.constant 52 : i32
        %add3A_1007 = vector.broadcast %add3A_1006 : i32 to vector<16xi32>
        %add3A_1008 = arith.addi %get3A_162, %add3A_1007 : vector<16xi32>
        %gather3A_1009 = tpu.vector_load_idx %arg14[%add3A_157, %add3A_1008] : memref<256x128xf32, #tpu.memory_space<vmem>>[vector<16xi32>, vector<16xi32>], vector<16xf32>,
        %add3A_1010 = arith.constant 52 : i32
        %add3A_1011 = vector.broadcast %add3A_1010 : i32 to vector<16xi32>
        %add3A_1012 = arith.addi %get3A_165, %add3A_1011 : vector<16xi32>
        %gather3A_1013 = tpu.vector_load_idx %arg15[%add3A_157, %add3A_1012] : memref<256x128xf32, #tpu.memory_space<vmem>>[vector<16xi32>, vector<16xi32>], vector<16xf32>,
        %add3A_1014 = arith.addf %gather3A_1005, %gather3A_1009 : vector<16xf32>
        %sub3A_1015 = arith.subf %add3A_1014, %gather3A_1013 : vector<16xf32>
        %abs3A_1016 = math.absf %sub3A_1015 : vector<16xf32>
        %add3A_1017 = arith.addf %add3A_953, %abs3A_1016 : vector<16xf32>
        %add3A_1018 = arith.constant 53 : i32
        %add3A_1019 = vector.broadcast %add3A_1018 : i32 to vector<16xi32>
        %add3A_1020 = arith.addi %get3A_159, %add3A_1019 : vector<16xi32>
        %gather3A_1021 = tpu.vector_load_idx %arg13[%add3A_157, %add3A_1020] : memref<256x128xf32, #tpu.memory_space<vmem>>[vector<16xi32>, vector<16xi32>], vector<16xf32>,
        %add3A_1022 = arith.constant 53 : i32
        %add3A_1023 = vector.broadcast %add3A_1022 : i32 to vector<16xi32>
        %add3A_1024 = arith.addi %get3A_162, %add3A_1023 : vector<16xi32>
        %gather3A_1025 = tpu.vector_load_idx %arg14[%add3A_157, %add3A_1024] : memref<256x128xf32, #tpu.memory_space<vmem>>[vector<16xi32>, vector<16xi32>], vector<16xf32>,
        %add3A_1026 = arith.constant 53 : i32
        %add3A_1027 = vector.broadcast %add3A_1026 : i32 to vector<16xi32>
        %add3A_1028 = arith.addi %get3A_165, %add3A_1027 : vector<16xi32>
        %gather3A_1029 = tpu.vector_load_idx %arg15[%add3A_157, %add3A_1028] : memref<256x128xf32, #tpu.memory_space<vmem>>[vector<16xi32>, vector<16xi32>], vector<16xf32>,
        %add3A_1030 = arith.addf %gather3A_1021, %gather3A_1025 : vector<16xf32>
        %sub3A_1031 = arith.subf %add3A_1030, %gather3A_1029 : vector<16xf32>
        %abs3A_1032 = math.absf %sub3A_1031 : vector<16xf32>
        %add3A_1033 = arith.addf %add3A_969, %abs3A_1032 : vector<16xf32>
        %add3A_1034 = arith.constant 54 : i32
        %add3A_1035 = vector.broadcast %add3A_1034 : i32 to vector<16xi32>
        %add3A_1036 = arith.addi %get3A_159, %add3A_1035 : vector<16xi32>
        %gather3A_1037 = tpu.vector_load_idx %arg13[%add3A_157, %add3A_1036] : memref<256x128xf32, #tpu.memory_space<vmem>>[vector<16xi32>, vector<16xi32>], vector<16xf32>,
        %add3A_1038 = arith.constant 54 : i32
        %add3A_1039 = vector.broadcast %add3A_1038 : i32 to vector<16xi32>
        %add3A_1040 = arith.addi %get3A_162, %add3A_1039 : vector<16xi32>
        %gather3A_1041 = tpu.vector_load_idx %arg14[%add3A_157, %add3A_1040] : memref<256x128xf32, #tpu.memory_space<vmem>>[vector<16xi32>, vector<16xi32>], vector<16xf32>,
        %add3A_1042 = arith.constant 54 : i32
        %add3A_1043 = vector.broadcast %add3A_1042 : i32 to vector<16xi32>
        %add3A_1044 = arith.addi %get3A_165, %add3A_1043 : vector<16xi32>
        %gather3A_1045 = tpu.vector_load_idx %arg15[%add3A_157, %add3A_1044] : memref<256x128xf32, #tpu.memory_space<vmem>>[vector<16xi32>, vector<16xi32>], vector<16xf32>,
        %add3A_1046 = arith.addf %gather3A_1037, %gather3A_1041 : vector<16xf32>
        %sub3A_1047 = arith.subf %add3A_1046, %gather3A_1045 : vector<16xf32>
        %abs3A_1048 = math.absf %sub3A_1047 : vector<16xf32>
        %add3A_1049 = arith.addf %add3A_985, %abs3A_1048 : vector<16xf32>
        %add3A_1050 = arith.constant 55 : i32
        %add3A_1051 = vector.broadcast %add3A_1050 : i32 to vector<16xi32>
        %add3A_1052 = arith.addi %get3A_159, %add3A_1051 : vector<16xi32>
        %gather3A_1053 = tpu.vector_load_idx %arg13[%add3A_157, %add3A_1052] : memref<256x128xf32, #tpu.memory_space<vmem>>[vector<16xi32>, vector<16xi32>], vector<16xf32>,
        %add3A_1054 = arith.constant 55 : i32
        %add3A_1055 = vector.broadcast %add3A_1054 : i32 to vector<16xi32>
        %add3A_1056 = arith.addi %get3A_162, %add3A_1055 : vector<16xi32>
        %gather3A_1057 = tpu.vector_load_idx %arg14[%add3A_157, %add3A_1056] : memref<256x128xf32, #tpu.memory_space<vmem>>[vector<16xi32>, vector<16xi32>], vector<16xf32>,
        %add3A_1058 = arith.constant 55 : i32
        %add3A_1059 = vector.broadcast %add3A_1058 : i32 to vector<16xi32>
        %add3A_1060 = arith.addi %get3A_165, %add3A_1059 : vector<16xi32>
        %gather3A_1061 = tpu.vector_load_idx %arg15[%add3A_157, %add3A_1060] : memref<256x128xf32, #tpu.memory_space<vmem>>[vector<16xi32>, vector<16xi32>], vector<16xf32>,
        %add3A_1062 = arith.addf %gather3A_1053, %gather3A_1057 : vector<16xf32>
        %sub3A_1063 = arith.subf %add3A_1062, %gather3A_1061 : vector<16xf32>
        %abs3A_1064 = math.absf %sub3A_1063 : vector<16xf32>
        %add3A_1065 = arith.addf %add3A_1001, %abs3A_1064 : vector<16xf32>
        %add3A_1066 = arith.constant 56 : i32
        %add3A_1067 = vector.broadcast %add3A_1066 : i32 to vector<16xi32>
        %add3A_1068 = arith.addi %get3A_159, %add3A_1067 : vector<16xi32>
        %gather3A_1069 = tpu.vector_load_idx %arg13[%add3A_157, %add3A_1068] : memref<256x128xf32, #tpu.memory_space<vmem>>[vector<16xi32>, vector<16xi32>], vector<16xf32>,
        %add3A_1070 = arith.constant 56 : i32
        %add3A_1071 = vector.broadcast %add3A_1070 : i32 to vector<16xi32>
        %add3A_1072 = arith.addi %get3A_162, %add3A_1071 : vector<16xi32>
        %gather3A_1073 = tpu.vector_load_idx %arg14[%add3A_157, %add3A_1072] : memref<256x128xf32, #tpu.memory_space<vmem>>[vector<16xi32>, vector<16xi32>], vector<16xf32>,
        %add3A_1074 = arith.constant 56 : i32
        %add3A_1075 = vector.broadcast %add3A_1074 : i32 to vector<16xi32>
        %add3A_1076 = arith.addi %get3A_165, %add3A_1075 : vector<16xi32>
        %gather3A_1077 = tpu.vector_load_idx %arg15[%add3A_157, %add3A_1076] : memref<256x128xf32, #tpu.memory_space<vmem>>[vector<16xi32>, vector<16xi32>], vector<16xf32>,
        %add3A_1078 = arith.addf %gather3A_1069, %gather3A_1073 : vector<16xf32>
        %sub3A_1079 = arith.subf %add3A_1078, %gather3A_1077 : vector<16xf32>
        %abs3A_1080 = math.absf %sub3A_1079 : vector<16xf32>
        %add3A_1081 = arith.addf %add3A_1017, %abs3A_1080 : vector<16xf32>
        %add3A_1082 = arith.constant 57 : i32
        %add3A_1083 = vector.broadcast %add3A_1082 : i32 to vector<16xi32>
        %add3A_1084 = arith.addi %get3A_159, %add3A_1083 : vector<16xi32>
        %gather3A_1085 = tpu.vector_load_idx %arg13[%add3A_157, %add3A_1084] : memref<256x128xf32, #tpu.memory_space<vmem>>[vector<16xi32>, vector<16xi32>], vector<16xf32>,
        %add3A_1086 = arith.constant 57 : i32
        %add3A_1087 = vector.broadcast %add3A_1086 : i32 to vector<16xi32>
        %add3A_1088 = arith.addi %get3A_162, %add3A_1087 : vector<16xi32>
        %gather3A_1089 = tpu.vector_load_idx %arg14[%add3A_157, %add3A_1088] : memref<256x128xf32, #tpu.memory_space<vmem>>[vector<16xi32>, vector<16xi32>], vector<16xf32>,
        %add3A_1090 = arith.constant 57 : i32
        %add3A_1091 = vector.broadcast %add3A_1090 : i32 to vector<16xi32>
        %add3A_1092 = arith.addi %get3A_165, %add3A_1091 : vector<16xi32>
        %gather3A_1093 = tpu.vector_load_idx %arg15[%add3A_157, %add3A_1092] : memref<256x128xf32, #tpu.memory_space<vmem>>[vector<16xi32>, vector<16xi32>], vector<16xf32>,
        %add3A_1094 = arith.addf %gather3A_1085, %gather3A_1089 : vector<16xf32>
        %sub3A_1095 = arith.subf %add3A_1094, %gather3A_1093 : vector<16xf32>
        %abs3A_1096 = math.absf %sub3A_1095 : vector<16xf32>
        %add3A_1097 = arith.addf %add3A_1033, %abs3A_1096 : vector<16xf32>
        %add3A_1098 = arith.constant 58 : i32
        %add3A_1099 = vector.broadcast %add3A_1098 : i32 to vector<16xi32>
        %add3A_1100 = arith.addi %get3A_159, %add3A_1099 : vector<16xi32>
        %gather3A_1101 = tpu.vector_load_idx %arg13[%add3A_157, %add3A_1100] : memref<256x128xf32, #tpu.memory_space<vmem>>[vector<16xi32>, vector<16xi32>], vector<16xf32>,
        %add3A_1102 = arith.constant 58 : i32
        %add3A_1103 = vector.broadcast %add3A_1102 : i32 to vector<16xi32>
        %add3A_1104 = arith.addi %get3A_162, %add3A_1103 : vector<16xi32>
        %gather3A_1105 = tpu.vector_load_idx %arg14[%add3A_157, %add3A_1104] : memref<256x128xf32, #tpu.memory_space<vmem>>[vector<16xi32>, vector<16xi32>], vector<16xf32>,
        %add3A_1106 = arith.constant 58 : i32
        %add3A_1107 = vector.broadcast %add3A_1106 : i32 to vector<16xi32>
        %add3A_1108 = arith.addi %get3A_165, %add3A_1107 : vector<16xi32>
        %gather3A_1109 = tpu.vector_load_idx %arg15[%add3A_157, %add3A_1108] : memref<256x128xf32, #tpu.memory_space<vmem>>[vector<16xi32>, vector<16xi32>], vector<16xf32>,
        %add3A_1110 = arith.addf %gather3A_1101, %gather3A_1105 : vector<16xf32>
        %sub3A_1111 = arith.subf %add3A_1110, %gather3A_1109 : vector<16xf32>
        %abs3A_1112 = math.absf %sub3A_1111 : vector<16xf32>
        %add3A_1113 = arith.addf %add3A_1049, %abs3A_1112 : vector<16xf32>
        %add3A_1114 = arith.constant 59 : i32
        %add3A_1115 = vector.broadcast %add3A_1114 : i32 to vector<16xi32>
        %add3A_1116 = arith.addi %get3A_159, %add3A_1115 : vector<16xi32>
        %gather3A_1117 = tpu.vector_load_idx %arg13[%add3A_157, %add3A_1116] : memref<256x128xf32, #tpu.memory_space<vmem>>[vector<16xi32>, vector<16xi32>], vector<16xf32>,
        %add3A_1118 = arith.constant 59 : i32
        %add3A_1119 = vector.broadcast %add3A_1118 : i32 to vector<16xi32>
        %add3A_1120 = arith.addi %get3A_162, %add3A_1119 : vector<16xi32>
        %gather3A_1121 = tpu.vector_load_idx %arg14[%add3A_157, %add3A_1120] : memref<256x128xf32, #tpu.memory_space<vmem>>[vector<16xi32>, vector<16xi32>], vector<16xf32>,
        %add3A_1122 = arith.constant 59 : i32
        %add3A_1123 = vector.broadcast %add3A_1122 : i32 to vector<16xi32>
        %add3A_1124 = arith.addi %get3A_165, %add3A_1123 : vector<16xi32>
        %gather3A_1125 = tpu.vector_load_idx %arg15[%add3A_157, %add3A_1124] : memref<256x128xf32, #tpu.memory_space<vmem>>[vector<16xi32>, vector<16xi32>], vector<16xf32>,
        %add3A_1126 = arith.addf %gather3A_1117, %gather3A_1121 : vector<16xf32>
        %sub3A_1127 = arith.subf %add3A_1126, %gather3A_1125 : vector<16xf32>
        %abs3A_1128 = math.absf %sub3A_1127 : vector<16xf32>
        %add3A_1129 = arith.addf %add3A_1065, %abs3A_1128 : vector<16xf32>
        %add3A_1130 = arith.constant 60 : i32
        %add3A_1131 = vector.broadcast %add3A_1130 : i32 to vector<16xi32>
        %add3A_1132 = arith.addi %get3A_159, %add3A_1131 : vector<16xi32>
        %gather3A_1133 = tpu.vector_load_idx %arg13[%add3A_157, %add3A_1132] : memref<256x128xf32, #tpu.memory_space<vmem>>[vector<16xi32>, vector<16xi32>], vector<16xf32>,
        %add3A_1134 = arith.constant 60 : i32
        %add3A_1135 = vector.broadcast %add3A_1134 : i32 to vector<16xi32>
        %add3A_1136 = arith.addi %get3A_162, %add3A_1135 : vector<16xi32>
        %gather3A_1137 = tpu.vector_load_idx %arg14[%add3A_157, %add3A_1136] : memref<256x128xf32, #tpu.memory_space<vmem>>[vector<16xi32>, vector<16xi32>], vector<16xf32>,
        %add3A_1138 = arith.constant 60 : i32
        %add3A_1139 = vector.broadcast %add3A_1138 : i32 to vector<16xi32>
        %add3A_1140 = arith.addi %get3A_165, %add3A_1139 : vector<16xi32>
        %gather3A_1141 = tpu.vector_load_idx %arg15[%add3A_157, %add3A_1140] : memref<256x128xf32, #tpu.memory_space<vmem>>[vector<16xi32>, vector<16xi32>], vector<16xf32>,
        %add3A_1142 = arith.addf %gather3A_1133, %gather3A_1137 : vector<16xf32>
        %sub3A_1143 = arith.subf %add3A_1142, %gather3A_1141 : vector<16xf32>
        %abs3A_1144 = math.absf %sub3A_1143 : vector<16xf32>
        %add3A_1145 = arith.addf %add3A_1081, %abs3A_1144 : vector<16xf32>
        %add3A_1146 = arith.constant 61 : i32
        %add3A_1147 = vector.broadcast %add3A_1146 : i32 to vector<16xi32>
        %add3A_1148 = arith.addi %get3A_159, %add3A_1147 : vector<16xi32>
        %gather3A_1149 = tpu.vector_load_idx %arg13[%add3A_157, %add3A_1148] : memref<256x128xf32, #tpu.memory_space<vmem>>[vector<16xi32>, vector<16xi32>], vector<16xf32>,
        %add3A_1150 = arith.constant 61 : i32
        %add3A_1151 = vector.broadcast %add3A_1150 : i32 to vector<16xi32>
        %add3A_1152 = arith.addi %get3A_162, %add3A_1151 : vector<16xi32>
        %gather3A_1153 = tpu.vector_load_idx %arg14[%add3A_157, %add3A_1152] : memref<256x128xf32, #tpu.memory_space<vmem>>[vector<16xi32>, vector<16xi32>], vector<16xf32>,
        %add3A_1154 = arith.constant 61 : i32
        %add3A_1155 = vector.broadcast %add3A_1154 : i32 to vector<16xi32>
        %add3A_1156 = arith.addi %get3A_165, %add3A_1155 : vector<16xi32>
        %gather3A_1157 = tpu.vector_load_idx %arg15[%add3A_157, %add3A_1156] : memref<256x128xf32, #tpu.memory_space<vmem>>[vector<16xi32>, vector<16xi32>], vector<16xf32>,
        %add3A_1158 = arith.addf %gather3A_1149, %gather3A_1153 : vector<16xf32>
        %sub3A_1159 = arith.subf %add3A_1158, %gather3A_1157 : vector<16xf32>
        %abs3A_1160 = math.absf %sub3A_1159 : vector<16xf32>
        %add3A_1161 = arith.addf %add3A_1097, %abs3A_1160 : vector<16xf32>
        %add3A_1162 = arith.constant 62 : i32
        %add3A_1163 = vector.broadcast %add3A_1162 : i32 to vector<16xi32>
        %add3A_1164 = arith.addi %get3A_159, %add3A_1163 : vector<16xi32>
        %gather3A_1165 = tpu.vector_load_idx %arg13[%add3A_157, %add3A_1164] : memref<256x128xf32, #tpu.memory_space<vmem>>[vector<16xi32>, vector<16xi32>], vector<16xf32>,
        %add3A_1166 = arith.constant 62 : i32
        %add3A_1167 = vector.broadcast %add3A_1166 : i32 to vector<16xi32>
        %add3A_1168 = arith.addi %get3A_162, %add3A_1167 : vector<16xi32>
        %gather3A_1169 = tpu.vector_load_idx %arg14[%add3A_157, %add3A_1168] : memref<256x128xf32, #tpu.memory_space<vmem>>[vector<16xi32>, vector<16xi32>], vector<16xf32>,
        %add3A_1170 = arith.constant 62 : i32
        %add3A_1171 = vector.broadcast %add3A_1170 : i32 to vector<16xi32>
        %add3A_1172 = arith.addi %get3A_165, %add3A_1171 : vector<16xi32>
        %gather3A_1173 = tpu.vector_load_idx %arg15[%add3A_157, %add3A_1172] : memref<256x128xf32, #tpu.memory_space<vmem>>[vector<16xi32>, vector<16xi32>], vector<16xf32>,
        %add3A_1174 = arith.addf %gather3A_1165, %gather3A_1169 : vector<16xf32>
        %sub3A_1175 = arith.subf %add3A_1174, %gather3A_1173 : vector<16xf32>
        %abs3A_1176 = math.absf %sub3A_1175 : vector<16xf32>
        %add3A_1177 = arith.addf %add3A_1113, %abs3A_1176 : vector<16xf32>
        %add3A_1178 = arith.constant 63 : i32
        %add3A_1179 = vector.broadcast %add3A_1178 : i32 to vector<16xi32>
        %add3A_1180 = arith.addi %get3A_159, %add3A_1179 : vector<16xi32>
        %gather3A_1181 = tpu.vector_load_idx %arg13[%add3A_157, %add3A_1180] : memref<256x128xf32, #tpu.memory_space<vmem>>[vector<16xi32>, vector<16xi32>], vector<16xf32>,
        %add3A_1182 = arith.constant 63 : i32
        %add3A_1183 = vector.broadcast %add3A_1182 : i32 to vector<16xi32>
        %add3A_1184 = arith.addi %get3A_162, %add3A_1183 : vector<16xi32>
        %gather3A_1185 = tpu.vector_load_idx %arg14[%add3A_157, %add3A_1184] : memref<256x128xf32, #tpu.memory_space<vmem>>[vector<16xi32>, vector<16xi32>], vector<16xf32>,
        %add3A_1186 = arith.constant 63 : i32
        %add3A_1187 = vector.broadcast %add3A_1186 : i32 to vector<16xi32>
        %add3A_1188 = arith.addi %get3A_165, %add3A_1187 : vector<16xi32>
        %gather3A_1189 = tpu.vector_load_idx %arg15[%add3A_157, %add3A_1188] : memref<256x128xf32, #tpu.memory_space<vmem>>[vector<16xi32>, vector<16xi32>], vector<16xf32>,
        %add3A_1190 = arith.addf %gather3A_1181, %gather3A_1185 : vector<16xf32>
        %sub3A_1191 = arith.subf %add3A_1190, %gather3A_1189 : vector<16xf32>
        %abs3A_1192 = math.absf %sub3A_1191 : vector<16xf32>
        %add3A_1193 = arith.addf %add3A_1129, %abs3A_1192 : vector<16xf32>
        %add3A_1194 = arith.addf %add3A_1145, %add3A_1161 : vector<16xf32>
        %add3A_1195 = arith.addf %add3A_1177, %add3A_1193 : vector<16xf32>
        %add3A_1196 = arith.addf %add3A_1194, %add3A_1195 : vector<16xf32>
        %sub3A_1197 = arith.constant 1.200000e+01 : f32
        %sub3A_1198 = vector.broadcast %sub3A_1197 : f32 to vector<16xf32>
        %sub3A_1199 = arith.subf %sub3A_1198, %add3A_1196 : vector<16xf32>
        %mul3A_1200 = arith.constant 256 : i32
        %mul3A_1201 = arith.muli %add3A_18, %mul3A_1200 : i32
        %mul3A_1202 = arith.constant 16 : i32
        %mul3A_1203 = arith.muli %add3A_148, %mul3A_1202 : i32
        %add3A_1204 = arith.addi %mul3A_1201, %mul3A_1203 : i32
        %swap3A = arith.index_cast %add3A_1204 : i32 to index
        %swap3A_1205 = tpu.vector_load %arg16[%swap3A] {strides = array<i32>} : memref<512xf32, #tpu.memory_space<vmem>>, vector<16xf32>,
        tpu.vector_store %arg16[%swap3A], %sub3A_1199 {strides = array<i32>} : memref<512xf32, #tpu.memory_space<vmem>>, vector<16xf32>,
      }
      %scan3A_143 = arith.constant 16 : i32
    }
    %scan3A_11 = arith.constant 2 : i32
    %mul3A_12 = arith.constant 512 : i32
    %mul3A_13 = arith.muli %add3A, %mul3A_12 : i32
    "tpu.region"() ({
      %run_scoped3A = tpu.sem_alloc : memref<!tpu.dma_semaphore, #tpu.memory_space<semaphore_mem>>
      %dma_start3A = tpu.memref_slice %arg5[%mul3A_13] : memref<16384xf32, #tpu.memory_space<hbm>> -> memref<512xf32, #tpu.memory_space<hbm>>
      %dma_start3A_14 = tpu.memref_slice %arg5[%mul3A_13] : memref<16384xf32, #tpu.memory_space<hbm>> -> memref<512xf32, #tpu.memory_space<hbm>>
      tpu.enqueue_dma source(%arg16 : memref<512xf32, #tpu.memory_space<vmem>>) target(%dma_start3A_14 : memref<512xf32, #tpu.memory_space<hbm>>) target_semaphore(%run_scoped3A : memref<!tpu.dma_semaphore, #tpu.memory_space<semaphore_mem>>)
      %dma_wait3A = tpu.memref_slice %arg5[%mul3A_13] : memref<16384xf32, #tpu.memory_space<hbm>> -> memref<512xf32, #tpu.memory_space<hbm>>
      %dma_wait3A_15 = tpu.memref_slice %arg5[%mul3A_13] : memref<16384xf32, #tpu.memory_space<hbm>> -> memref<512xf32, #tpu.memory_space<hbm>>
      tpu.wait_dma2 semaphore(%run_scoped3A : memref<!tpu.dma_semaphore, #tpu.memory_space<semaphore_mem>>) src(%arg16 : memref<512xf32, #tpu.memory_space<vmem>>) dst(%dma_wait3A_15 : memref<512xf32, #tpu.memory_space<hbm>>)
      tpu.yield
    }) : () -> ()
    return
  }
}

</mosaic_0001>

<sc_bundles>
// kernel: _score.3.cloned.1.call-start
scs
__scs_entry_jumppad:
0x0: {  	(pc) =	sbr.rel $0x88, $3  }
0x1: {  	(tag) =	ssettag $0x0;
	lr =	simm.s32 $0x1  }
0x2: {  	[smem:$0x3F9E] =	sst lr;
	_ =	strace $0xD0000000  }
0x3: {  	_ = 	snop  }
0x4: {  	_ = 	snop  }
0x5: {  	_ = 	snop  }
0x6: {  	_ = 	snop  }
0x7: {  	_ = 	snop  }
__scs_overlays_trampoline_lowered:
0x8: {  	[smem:$0x3FAD] =	sst s0  }
0x9: {  	[smem:$0x3FAE] =	sst s1  }
0xa: {  	[smem:$0x3FAF] =	sst s2  }
0xb: {  	[smem:$0x3FB0] =	sst s3  }
0xc: {  	[smem:$0x3FB1] =	sst s4  }
0xd: {  	[smem:$0x3FB2] =	sst s5  }
0xe: {  	[smem:$0x3FB3] =	sst s6  }
0xf: {  	[smem:$0x3FB4] =	sst s7  }
0x10: {  	[smem:$0x3FB5] =	sst s8  }
0x11: {  	[smem:$0x3FB6] =	sst s9;
	s0 =	simm.s32 @!p0 $0x0  }
0x12: {  	s1 =	sld [smem:$0x3F9C];
	s0 =	simm.s32 @p0 $0x1  }
0x13: {  	[smem:$0x3FB7] =	sst s0;
	s0 =	simm.s32 @!p1 $0x0  }
0x14: {  	s2 =	sld [smem:$0x3F9B];
	s0 =	simm.s32 @p1 $0x1  }
0x15: {  	[smem:$0x3FB8] =	sst s0;
	s0 =	simm.s32 @!p2 $0x0  }
0x16: {  	s3 =	sld [smem:$0x3FDB];
	s0 =	simm.s32 @p2 $0x1  }
0x17: {  	s4 =	simm.s32 $0x1BF5;
	[smem:$0x3FBA] =	sst s0  }
0x18: {  	s0 =	sld [smem:$0x3F9D];
	_ =	swait.ge [sflag:s4], $0x0  }
0x19: {  	s7 =	sld [smem:$0x3F9E]  }
0x1a: {  	s8 =	sadd.s32 $0xFFFFE003, lr  }
0x1b: {  	s9 =	sadd.s32 $0xFFFFFEF7, lr;
	s5 =	simm.s32 $0xFFFFFFFF;
	p2 =	slt.u32 s8, $0xFFFFF086  }
0x1c: {  	p1 =	slt.u32 s9, $0xF7A;
	s5 =	simm.s32 @!p2 $0x0  }
0x1d: {  	s5 =	simm.s32 @p1 $0x1;
	p0 =	seq.s32 s7, s2  }
0x1e: {  	s7 =	smul.u32 @!p0 $0xF7A, s2;
	p2 =	seq.s32 @!p0 s5, $0x0  }
0x1f: {  	s9 =	smul.u32 $0xF7A, s1;
	s8 =	simm.s32 @!p0 $0x1BF5;
	p2 =	por !p2, p0  }
0x20: {  	[sflag:s8] =	ssyncset.s32 @!p0 $0xFFFFF086;
	s6 =	sadd.s32 @!p0 s3, s7;
	s7 =	simm.s32 @!p0 $0x108  }
0x21: {  	s3 =	sadd.s32 s3, s9;
	s6 =	sadd.s32 @!p0 $0x88, s6;
	s7 =	simm.s32 @p2 $0x1082  }
0x22: {  	[simem:s7], [sflag:s8] =	dma.local @!p0 [hbm:s6], $0xF7A  }
0x23: {  	s9 =	sor.u32 $0xD0000000, s2;
	s6 =	simm.s32 $0x108;
	_ =	swait.ge @!p0 [sflag:s8], $0x0  }
0x24: {  	s3 =	sadd.s32 $0x88, s3;
	s6 =	simm.s32 @!p1 $0x1082;
	[sflag:s4] =	ssyncset.s32 $0xFFFFF086  }
0x25: {  	[simem:s6], [sflag:s4] =	dma.local [hbm:s3], $0xF7A  }
0x26: {  	[smem:$0x3F9E] =	sst s1;
	(tag) =	ssettag s2;
	_ =	strace s9  }
0x27: {  	s1 =	sld [smem:$0x3FAE]  }
0x28: {  	s2 =	sld [smem:$0x3FAF]  }
0x29: {  	s4 =	sld [smem:$0x3FB1]  }
0x2a: {  	p0 =	seq.s32 s5, $0x0;
	s5 =	sld [smem:$0x3FB2]  }
0x2b: {  	s6 =	sld [smem:$0x3FB3]  }
0x2c: {  	s7 =	sld [smem:$0x3FB4]  }
0x2d: {  	s3 =	simm.s32 $0x108;
	s8 =	sld [smem:$0x3FB5]  }
0x2e: {  	s3 =	simm.s32 @!p0 $0x1082;
	s9 =	sld [smem:$0x3FB6]  }
0x2f: {  	lr =	sadd.s32 s0, s3;
	s0 =	sld [smem:$0x3FAD]  }
0x30: {  	s3 =	sld [smem:$0x3FB0]  }
0x31: {  	[smem:$0x3FB9] =	sst s10  }
0x32: {  	s10 =	sld [smem:$0x3FB7];
	_ =	sdelay $0x3  }
0x33: {  	p0 =	seq.s32 s10, $0x1;
	s10 =	sld [smem:$0x3FB9];
	_ =	sdelay $0x3  }
0x34: {  	[smem:$0x3FB9] =	sst s10  }
0x35: {  	s10 =	sld [smem:$0x3FB8];
	_ =	sdelay $0x3  }
0x36: {  	p1 =	seq.s32 s10, $0x1;
	s10 =	sld [smem:$0x3FB9];
	_ =	sdelay $0x3  }
0x37: {  	[smem:$0x3FB9] =	sst s10  }
0x38: {  	s10 =	sld [smem:$0x3FBA]  }
0x39: {  	_ = 	snop;
	(pc) =	sbr.ind lr, $3  }
0x3a: {  	_ = 	snop  }
0x3b: {  	_ = 	snop  }
0x3c: {  	p2 =	seq.s32 s10, $0x1;
	s10 =	sld [smem:$0x3FB9]  }
0x3d: {  	_ =	shalt  }
0x3e: {  	_ =	shalt  }
0x3f: {  	_ =	shalt  }
0x40: {  	_ =	shalt  }
0x41: {  	_ =	shalt  }
0x42: {  	_ =	shalt  }
0x43: {  	_ =	shalt  }
0x44: {  	_ =	shalt  }
0x45: {  	_ =	shalt  }
0x46: {  	_ =	shalt  }
0x47: {  	_ =	shalt  }
0x48: {  	_ =	shalt  }
0x49: {  	_ =	shalt  }
0x4a: {  	_ =	shalt  }
0x4b: {  	_ =	shalt  }
0x4c: {  	_ =	shalt  }
0x4d: {  	_ =	shalt  }
0x4e: {  	_ =	shalt  }
0x4f: {  	_ =	shalt  }
0x50: {  	_ =	shalt  }
0x51: {  	_ =	shalt  }
0x52: {  	_ =	shalt  }
0x53: {  	_ =	shalt  }
0x54: {  	_ =	shalt  }
0x55: {  	_ =	shalt  }
0x56: {  	_ =	shalt  }
0x57: {  	_ =	shalt  }
0x58: {  	_ =	shalt  }
0x59: {  	_ =	shalt  }
0x5a: {  	_ =	shalt  }
0x5b: {  	_ =	shalt  }
0x5c: {  	_ =	shalt  }
0x5d: {  	_ =	shalt  }
0x5e: {  	_ =	shalt  }
0x5f: {  	_ =	shalt  }
0x60: {  	_ =	shalt  }
0x61: {  	_ =	shalt  }
0x62: {  	_ =	shalt  }
0x63: {  	_ =	shalt  }
0x64: {  	_ =	shalt  }
0x65: {  	_ =	shalt  }
0x66: {  	_ =	shalt  }
0x67: {  	_ =	shalt  }
0x68: {  	_ =	shalt  }
0x69: {  	_ =	shalt  }
0x6a: {  	_ =	shalt  }
0x6b: {  	_ =	shalt  }
0x6c: {  	_ =	shalt  }
0x6d: {  	_ =	shalt  }
0x6e: {  	_ =	shalt  }
0x6f: {  	_ =	shalt  }
0x70: {  	_ =	shalt  }
0x71: {  	_ =	shalt  }
0x72: {  	_ =	shalt  }
0x73: {  	_ =	shalt  }
0x74: {  	_ =	shalt  }
0x75: {  	_ =	shalt  }
0x76: {  	_ =	shalt  }
0x77: {  	_ =	shalt  }
0x78: {  	_ =	shalt  }
0x79: {  	_ =	shalt  }
0x7a: {  	_ =	shalt  }
0x7b: {  	_ =	shalt  }
0x7c: {  	_ =	shalt  }
0x7d: {  	_ =	shalt  }
0x7e: {  	_ =	shalt  }
0x7f: {  	_ =	shalt  }
0x80: {  	_ =	shalt  }
0x81: {  	_ =	shalt  }
0x82: {  	_ =	shalt  }
0x83: {  	_ =	shalt  }
0x84: {  	_ =	shalt  }
0x85: {  	_ =	shalt  }
0x86: {  	_ =	shalt  }
0x87: {  	_ =	shalt  }
.Lfunc_end0:
.L_simem_size_0:
called_computation_lowered:
.L_overlay_start_0:
0x88: {  	s2 =	sld [smem:$0x3FD9]  }
0x89: {  	s3 =	sld [smem:$0x3FFE];
	_ =	sdelay $0x1  }
0x8a: {  	s1 =	srdreg.scid  }
0x8b: {  	s0 =	sand.u32 $0x1, s1  }
0x8c: {  	s18 =	sshll.u32 s0, $0xA;
	s2 =	sadd.s32 s3, s2  }
0x8d: {  	s2 =	sadd.s32 s2, s18  }
0x8e: {  	[smem:$0x3FC5] =	sst s2  }
0x8f: {  	_ = 	snop  }
0x90: {  	s2 =	sld [smem:$0x3FC9]  }
0x91: {  	s19 =	sld [smem:$0x3FC8]  }
0x92: {  	s4 =	sld [smem:$0x3FC7]  }
0x93: {  	s5 =	sld [smem:$0x3FD0];
	(tm) =	ssettm $0x1  }
0x94: {  	s6 =	sld [smem:$0x3FFB];
	_ =	sdelay $0x3  }
0x95: {  	_ =	strace s6  }
0x96: {  	s6 =	sld [smem:$0x3FFC];
	_ =	sdelay $0x3  }
0x97: {  	_ =	strace s6  }
0x98: {  	s6 =	sld [smem:$0x3FFD];
	_ =	sdelay $0x3  }
0x99: {  	_ =	strace s6  }
0x9a: {  	_ =	strace $0x8FFFFFFF  }
0x9b: {  	s20 =	sld [smem:$0x3FDB];
	_ =	sdelay $0x1  }
0x9c: {  	s7 =	simm.s32 $_scs_section_size  }
0x9d: {  	s8 =	simm.s32 $_size__tile_overlayer_lowered;
	s9 =	simm.s32 $_tile_overlayer_lowered  }
0x9e: {  	s23 =	simm.s32 $0x1BFF;
	s22 =	sshll.u32 s9, $0x1;
	s6 =	sadd.s32 s7, s20  }
0x9f: {  	s10 =	simm.s32 $0x0;
	s21 =	sshll.u32 s8, $0x1;
	s8 =	sadd.s32 s22, s6  }
0xa0: {  	[timem:s10], [sflag:s23] =	dma.local [hbm:s8], s21  }
0xa1: {  	_ =	swait.ge [sflag:s23], s21  }
0xa2: {  	s7 =	ssub.s32 $0x0, s21;
	[sflag:s23] =	ssyncset.done $0x0  }
0xa3: {  	[sflag:s23] =	ssyncadd.s32 s7;
	_ =	sdelay $0x1  }
0xa4: {  	s24 =	simm.s32 $0x1B8B  }
0xa5: {  	_ =	swait.ge [sflag:s24], $0x1  }
0xa6: {  	[sflag:s24] =	ssyncset.done $0x0  }
0xa7: {  	s25 =	simm.s32 $0x1B8E;
	[sflag:s24] =	ssyncadd.s32 $0xFFFFFFFF  }
0xa8: {  	s26 =	simm.s32 $execute0_lowered;
	[smem:$0x3FD2] =	sst s25  }
0xa9: {  	s7 =	sshll.u32 s26, $0x1;
	_ =	strace $0x80000046;
	[dreg:$0x1] =	wrdreg $0xFFFFFFFF  }
0xaa: {  	s28 =	simm.s32 $_size_execute0_lowered;
	s6 =	sadd.s32 s6, s7;
	[dreg:$0x0] =	wrdreg $0x0  }
0xab: {  	s7 =	sshll.u32 s28, $0x1;
	[dreg:$0x2] =	wrdreg s6  }
0xac: {  	[dreg:$0x3] =	wrdreg s7  }
0xad: {  	[dreg:$0x4] =	wrdreg $0xC0  }
0xae: {  	_ =	task [dreg:s10], $0x5FFFF  }
0xaf: {  	[dreg:$0x1] =	wrdreg $0xFFFFFFFF  }
0xb0: {  	[dreg:$0x0] =	wrdreg $0x60  }
0xb1: {  	[dreg:$0x2] =	wrdreg s19  }
0xb2: {  	[dreg:$0x3] =	wrdreg s4  }
0xb3: {  	[dreg:$0x4] =	wrdreg s2  }
0xb4: {  	[dreg:$0x5] =	wrdreg s5  }
0xb5: {  	[dreg:$0x6] =	wrdreg $0x9  }
0xb6: {  	_ =	task.clear_ibuf [dreg:s10], $0x7FFFF;
	_ =	strace $0x90000046  }
0xb7: {  	s29 =	simm.s32 $0x9;
	_ =	strace $0x80000048  }
0xb8: {  	_ =	swait.ge [sflag:s29], $0x1  }
0xb9: {  	[sflag:s29] =	ssyncadd.s32 $0xFFFFFFFF  }
0xba: {  	_ =	strace $0x90000048  }
0xbb: {  	_ =	sfence  }
0xbc: {  	s30 =	sld [smem:$0x0];
	_ =	sdelay $0x2  }
0xbd: {  	s31 =	sshll.u32 s1, $0xD;
	s1 =	sshrl.u32 s1, $0x2  }
0xbe: {  	s3 =	sand.u32 $0x4000, s31;
	s1 =	sadd.s32 s1, s30  }
0xbf: {  	s0 =	sor.u32 s3, s0;
	s1 =	sshll.u32 s1, $0x11  }
0xc0: {  	s0 =	sor.u32 s1, s0  }
0xc1: {  	s0 =	sadd.s32 $0x8F2B, s0  }
0xc2: {  	[sflag:s0] =	ssyncadd.remote.s32 $0x1  }
0xc3: {  	_ =	sfence.sel $0xFFFF  }
0xc4: {  	[dreg:$0x0] =	wrdreg $0xFFFFFFFF;
	(pc) =	sbr.abs _section_cstart, $3  }
0xc5: {  	[dreg:$0x1] =	wrdreg $0xFFFFFFFF  }
0xc6: {  	_ =	task.clear_ibuf [dreg:s10], $0x2FFFF;
	_ =	strace $0x9FFFFFFF  }
0xc7: {  	(tm) =	ssettm $0x7FFFFFFF  }
tec
execute0_lowered:
.L_overlay_start_1:
0x0: {  	(tag) =	ssettag $0x1  }
0x1: {  	s1 =	rddreg [dreg:$0x0]  }
0x2: {  	s2 =	rddreg [dreg:$0x1]  }
0x3: {  	s5 =	rddreg [dreg:$0x2]  }
0x4: {  	s6 =	rddreg [dreg:$0x3]  }
0x5: {  	s0 =	rddreg [dreg:$0x4];
	s7 =	srdreg.scid  }
0x6: {  	s4 =	simm.s32 $0x0;
	s3 =	stileid.u32;
	s11 =	simm.s32 $0x9400  }
0x7: {  	s12 =	simm.s32 $0x11400;
	s13 =	simm.s32 $0x5400;
	s14 =	simm.s32 $0xD400  }
0x8: {  	s15 =	simm.s32 $0x15400;
	s16 =	simm.s32 $0x1;
	s17 =	simm.s32 $0x19400  }
0x9: {  	s18 =	simm.s32 $0x0;
	s7 =	sand.u32 $0x1, s7;
	[smem:$0x7FF] =	sst s4  }
0xa: {  	s8 =	sshll.u32 s3, $0xA;
	s9 =	sshll.u32 s7, $0x9;
	s7 =	ssub.s32 $0x2, s7  }
0xb: {  	_ =	strace $0x80000047;
	s8 =	sor.u32 s9, s8;
	s31 =	sshrl.u32 s7, $0x1  }
0xc: {  	s9 =	simm.s32 $0x80;
	s10 =	sshrl.u32 s8, $0x1;
	s8 =	sshrl.u32 s8, $0x3  }
0xd: {  	v1 =	vlaneseq.u32;
	s7 =	ssub.s32 s7, s31;
	s5 =	sadd.s32 s5, s10;
	s6 =	sadd.s32 s6, s8  }
0xe: {  	v0 =	vimm.s32 $0x40;
	v1 =	vmul.u32 $0x80, v1;
	s7 =	smax.u32 s7, $0x1;
	s8 =	simm.s32 $0x2;
	s10 =	simm.s32 $0x1400  }
.LBB2_1:
0xf: {  	[tilespmem:s4], [sflag:$0x2] =	stream.linear.gather [hbm4b:s5+s4], $0x800, $0x38;
	[tilespmem:$0x19600] =	vst v63  }
0x10: {  	_ =	swait.ge [sflag:s8], $0x800  }
0x11: {  	s19 =	sand.u32 $0x70, s4;
	s20 =	sand.u32 $0x600, s4;
	[sflag:s8] =	ssyncset.done $0x0  }
0x12: {  	s20 =	sor.u32 s19, s20;
	[sflag:s8] =	ssyncadd.s32 $0xFFFFF800  }
0x13: {  	v5 =	vld [tilespmem:s20+$0x100]  }
0x14: {  	v2 =	vld [tilespmem:s20+$0x80];
	_ =	sdelay $0x1  }
0x15: {  	v3 =	vld [tilespmem:s20+$0x0];
	_ =	sdelay $0x1  }
0x16: {  	vm1 =	vlt.s32 v5, $0x80000;
	v6 =	vadd.s32 $0xFFF80000, v5  }
0x17: {  	s21 =	simm.s32 $0x0;
	s19 =	simm.s32 $0x10;
	s20 =	simm.s32 $0x0;
	vm0 =	vlt.s32 v2, $0x80000;
	v4 =	vadd.s32 $0xFFF80000, v2;
	v5 =	vsel vm1, v5, v6  }
.LBB2_2:
0x18: {  	p0 =	sne.s32 s19, $0x1F0  }
0x19: {  	vm2 =	vlt.s32 v3, $0x80000;
	v6 =	vadd.s32 $0xFFF80000, v3;
	[tilespmem:s20+$0xC00] =	vst v5;
	v5 =	vsel vm1, $0x0, v0;
	s21 =	sadd.s32 $0x40, s21;
	s22 =	smov.u32 s19;
	s19 =	sadd.s32 $0x10, s19  }
0x1a: {  	v2 =	vsel vm0, v2, v4;
	v3 =	vsel vm2, v3, v6;
	v6 =	vsel vm2, $0x0, v0;
	[tilespmem:s20+$0x1200] =	vst v5  }
0x1b: {  	[tilespmem:s20+$0xA00] =	vst v2  }
0x1c: {  	v2 =	vsel vm0, $0x0, v0;
	[tilespmem:s20+$0x800] =	vst v3  }
0x1d: {  	s22 =	sand.u32 $0x70, s22;
	s23 =	sand.u32 $0x600, s21;
	[tilespmem:s20+$0x1000] =	vst v2  }
0x1e: {  	s22 =	sor.u32 s22, s23;
	[tilespmem:s20+$0xE00] =	vst v6  }
0x1f: {  	v5 =	vld [tilespmem:s22+$0x100]  }
0x20: {  	v2 =	vld [tilespmem:s22+$0x80]  }
.Ltmp0:
0x21: {  	v3 =	vld [tilespmem:s22+$0x0];
	(pc) =	sbr.rel @p0 .LBB2_2-.Ltmp0, $3  }
0x22: {  	_ =	sdelay $0x1  }
0x23: {  	vm1 =	vlt.s32 v5, $0x80000;
	v6 =	vadd.s32 $0xFFF80000, v5  }
0x24: {  	s20 =	sshra.s32 s21, $0x2;
	vm0 =	vlt.s32 v2, $0x80000;
	v4 =	vadd.s32 $0xFFF80000, v2;
	v5 =	vsel vm1, v5, v6  }
0x25: {  	[tilespmem:s20+$0xC00] =	vst v5;
	v63 =	vsel vm1, $0x0, v0  }
0x26: {  	vm15 =	vlt.s32 v3, $0x80000;
	v6 =	vadd.s32 $0xFFF80000, v3;
	v2 =	vsel vm0, v2, v4;
	[tilespmem:s20+$0x1200] =	vst v63  }
0x27: {  	v3 =	vsel vm15, v3, v6;
	[tilespmem:s20+$0xA00] =	vst v2  }
0x28: {  	v2 =	vsel vm0, $0x0, v0;
	[tilespmem:s20+$0x800] =	vst v3  }
0x29: {  	v3 =	vsel vm15, $0x0, v0;
	[tilespmem:s20+$0x1000] =	vst v2  }
0x2a: {  	s19 =	simm.s32 $0x0;
	p1 =	por $0x1, $0x1;
	[tilespmem:s20+$0xE00] =	vst v3  }
.LBB2_4:
0x2b: {  	s19 =	sshll.u32 s19, $0x8  }
0x2c: {  	s20 =	sadd.s32 $0x800, s19  }
0x2d: {  	[tilespmem:s10], [sflag:$0x1] =	stream.indirect.gather [hbm4b:s1+s9], $0x80, s20, s9, $0xb8;
	[tilespmem:$0x19600] =	vst v63  }
0x2e: {  	s25 =	sadd.s32 $0xA00, s19  }
0x2f: {  	[tilespmem:s11], [sflag:$0x1] =	stream.indirect.gather [hbm4b:s2+s9], $0x80, s25, s9, $0xb8;
	[tilespmem:$0x19600] =	vst v63  }
0x30: {  	s26 =	sadd.s32 $0xC00, s19  }
0x31: {  	[tilespmem:s12], [sflag:$0x1] =	stream.indirect.gather [hbm4b:s1+s9], $0x80, s26, s9, $0xb8;
	[tilespmem:$0x19600] =	vst v63  }
0x32: {  	s28 =	sadd.s32 $0x880, s19  }
0x33: {  	[tilespmem:s13], [sflag:$0x1] =	stream.indirect.gather [hbm4b:s1+s9], $0x80, s28, s9, $0xb8;
	[tilespmem:$0x19600] =	vst v63  }
0x34: {  	s29 =	sadd.s32 $0xA80, s19  }
0x35: {  	[tilespmem:s14], [sflag:$0x1] =	stream.indirect.gather [hbm4b:s2+s9], $0x80, s29, s9, $0xb8;
	[tilespmem:$0x19600] =	vst v63  }
0x36: {  	s30 =	sadd.s32 $0xC80, s19  }
0x37: {  	[tilespmem:s15], [sflag:$0x1] =	stream.indirect.gather [hbm4b:s1+s9], $0x80, s30, s9, $0xb8;
	[tilespmem:$0x19600] =	vst v63  }
0x38: {  	_ =	swait.ge [sflag:s16], $0x4000  }
0x39: {  	[sflag:s16] =	ssyncset.done $0x0  }
0x3a: {  	[sflag:s16] =	ssyncadd.s32 $0xFFFFC000  }
0x3b: {  	_ =	swait.ge [sflag:s16], $0x4000  }
0x3c: {  	[sflag:s16] =	ssyncset.done $0x0  }
0x3d: {  	[sflag:s16] =	ssyncadd.s32 $0xFFFFC000  }
0x3e: {  	_ =	swait.ge [sflag:s16], $0x4000  }
0x3f: {  	[sflag:s16] =	ssyncset.done $0x0  }
0x40: {  	[sflag:s16] =	ssyncadd.s32 $0xFFFFC000  }
0x41: {  	_ =	swait.ge [sflag:s16], $0x4000  }
0x42: {  	[sflag:s16] =	ssyncset.done $0x0  }
0x43: {  	[sflag:s16] =	ssyncadd.s32 $0xFFFFC000  }
0x44: {  	_ =	swait.ge [sflag:s16], $0x4000  }
0x45: {  	[sflag:s16] =	ssyncset.done $0x0  }
0x46: {  	[sflag:s16] =	ssyncadd.s32 $0xFFFFC000  }
0x47: {  	_ =	swait.ge [sflag:s16], $0x4000  }
0x48: {  	p0 =	por p1, p1;
	s31 =	sand.u32 $0x3FFFFF00, s19;
	[sflag:s16] =	ssyncset.done $0x0  }
0x49: {  	s21 =	simm.s32 $0x0;
	s20 =	sadd.s32 $0x19400, s31;
	[sflag:s16] =	ssyncadd.s32 $0xFFFFC000  }
.LBB2_5:
0x4a: {  	s23 =	sand.u32 $0x80, s21  }
0x4b: {  	s22 =	sand.u32 $0x70, s21;
	s24 =	sor.u32 s19, s23  }
0x4c: {  	s24 =	sor.u32 s22, s24  }
0x4d: {  	v5 =	vld [tilespmem:s24+$0xE00]  }
0x4e: {  	v4 =	vld [tilespmem:s24+$0x1000]  }
0x4f: {  	v3 =	vld [tilespmem:s24+$0x1200]  }
0x50: {  	v2 =	vmov s21  }
0x51: {  	v2 =	vshll.u32 v2, $0x7  }
0x52: {  	v2 =	vor.u32 v1, v2  }
0x53: {  	v6 =	vand.u32 $0xFFFFFF80, v5;
	v7 =	vand.u32 $0x7F, v5;
	v8 =	vand.u32 $0xFFFFFF80, v4  }
0x54: {  	v20 =	vand.u32 $0x7F, v4;
	v21 =	vand.u32 $0xFFFFFF80, v3;
	v9 =	vand.u32 $0x7F, v3  }
0x55: {  	v22 =	vadd.s32 $0x1, v5;
	v10 =	vadd.s32 $0x1, v4;
	v26 =	vadd.s32 $0x1, v3  }
0x56: {  	v11 =	vadd.s32 $0x2, v5;
	v13 =	vadd.s32 $0x2, v4;
	v31 =	vadd.s32 $0x2, v3  }
0x57: {  	v14 =	vadd.s32 $0x3, v5;
	v16 =	vadd.s32 $0x3, v4;
	v36 =	vadd.s32 $0x3, v3  }
0x58: {  	v17 =	vadd.s32 $0x4, v5;
	v19 =	vadd.s32 $0x4, v4;
	v41 =	vadd.s32 $0x4, v3  }
0x59: {  	v46 =	vadd.s32 $0x5, v3;
	v51 =	vadd.s32 $0x6, v3;
	v56 =	vadd.s32 $0x7, v3  }
0x5a: {  	v61 =	vadd.s32 $0x8, v3;
	v6 =	vadd.s32 v2, v6;
	v8 =	vadd.s32 v2, v8  }
0x5b: {  	v23 =	vand.u32 $0xFFFFFF80, v22;
	v24 =	vand.u32 $0xFFFFFF80, v10;
	v25 =	vand.u32 $0x7F, v10  }
0x5c: {  	v27 =	vand.u32 $0xFFFFFF80, v26;
	v10 =	vand.u32 $0x7F, v26;
	v12 =	vand.u32 $0xFFFFFF80, v11  }
0x5d: {  	v11 =	vand.u32 $0x7F, v11;
	v29 =	vand.u32 $0xFFFFFF80, v13;
	v30 =	vand.u32 $0x7F, v13  }
0x5e: {  	v32 =	vand.u32 $0xFFFFFF80, v31;
	v13 =	vand.u32 $0x7F, v31;
	v15 =	vand.u32 $0xFFFFFF80, v14  }
0x5f: {  	v14 =	vand.u32 $0x7F, v14;
	v34 =	vand.u32 $0xFFFFFF80, v16;
	v35 =	vand.u32 $0x7F, v16  }
0x60: {  	v37 =	vand.u32 $0xFFFFFF80, v36;
	v16 =	vand.u32 $0x7F, v36;
	v18 =	vand.u32 $0xFFFFFF80, v17  }
0x61: {  	v17 =	vand.u32 $0x7F, v17;
	v39 =	vand.u32 $0xFFFFFF80, v19;
	v40 =	vand.u32 $0x7F, v19  }
0x62: {  	v42 =	vand.u32 $0xFFFFFF80, v41;
	v19 =	vand.u32 $0x7F, v41;
	v47 =	vand.u32 $0xFFFFFF80, v46  }
0x63: {  	v52 =	vand.u32 $0xFFFFFF80, v51;
	v26 =	vadd.s32 $0x7, v5;
	v57 =	vand.u32 $0xFFFFFF80, v56  }
0x64: {  	v31 =	vadd.s32 $0x8, v4;
	v62 =	vand.u32 $0xFFFFFF80, v61;
	v6 =	vor.u32 v7, v6  }
0x65: {  	v7 =	vor.u32 v20, v8;
	v8 =	vadd.s32 v2, v21;
	v12 =	vadd.s32 v2, v12  }
0x66: {  	v15 =	vadd.s32 v2, v15;
	v18 =	vadd.s32 v2, v18;
	v20 =	vadd.s32 $0x5, v5  }
0x67: {  	v59 =	vand.u32 $0xFFFFFF80, v31;
	v60 =	vand.u32 $0x7F, v31;
	v31 =	vand.u32 $0x7F, v61  }
0x68: {  	v8 =	vor.u32 v9, v8;
	v9 =	vand.u32 $0x7F, v22;
	v28 =	vor.u32 v11, v12  }
0x69: {  	v11 =	vadd.s32 v2, v29;
	v12 =	vadd.s32 v2, v32;
	v33 =	vor.u32 v14, v15  }
0x6a: {  	v14 =	vadd.s32 v2, v34;
	v15 =	vadd.s32 v2, v37;
	v38 =	vor.u32 v17, v18  }
0x6b: {  	v17 =	vadd.s32 v2, v39;
	v18 =	vadd.s32 v2, v42;
	v21 =	vand.u32 $0xFFFFFF80, v20  }
0x6c: {  	v20 =	vand.u32 $0x7F, v20;
	v22 =	vadd.s32 $0x5, v4;
	v29 =	vadd.s32 $0x8, v5  }
0x6d: {  	v32 =	vadd.s32 $0x9, v5;
	v34 =	vadd.s32 $0x9, v4;
	v11 =	vor.u32 v30, v11  }
0x6e: {  	v12 =	vor.u32 v13, v12;
	v14 =	vor.u32 v35, v14;
	v15 =	vor.u32 v16, v15  }
0x6f: {  	v17 =	vor.u32 v40, v17;
	v21 =	vadd.s32 v2, v21;
	v18 =	vor.u32 v19, v18  }
0x70: {  	v44 =	vand.u32 $0xFFFFFF80, v22;
	v45 =	vand.u32 $0x7F, v22;
	v22 =	vand.u32 $0x7F, v46  }
0x71: {  	v30 =	vand.u32 $0xFFFFFF80, v29;
	v29 =	vand.u32 $0x7F, v29;
	v36 =	vand.u32 $0xFFFFFF80, v34  }
0x72: {  	v37 =	vand.u32 $0x7F, v34;
	v34 =	vadd.s32 $0xC, v5;
	v43 =	vor.u32 v20, v21  }
0x73: {  	v20 =	vadd.s32 v2, v44;
	v21 =	vadd.s32 v2, v47;
	v30 =	vadd.s32 v2, v30  }
0x74: {  	v35 =	vand.u32 $0xFFFFFF80, v34;
	v20 =	vor.u32 v45, v20;
	v21 =	vor.u32 v22, v21  }
0x75: {  	v58 =	vor.u32 v29, v30;
	v29 =	vadd.s32 v2, v59;
	v30 =	vadd.s32 v2, v62;
	v6 =	vld.idx.msk [tilespmem:v6+s10+$0x0], $0xffff  }
0x76: {  	v62 =	vadd.s32 $0xA, v3;
	v7 =	vld.idx.msk [tilespmem:v7+s11+$0x0], $0xffff;
	v29 =	vor.u32 v60, v29;
	v30 =	vor.u32 v31, v30  }
0x77: {  	v60 =	vadd.s32 $0xA, v4;
	v13 =	vld.idx.msk [tilespmem:v33+s10+$0x0], $0xffff;
	v33 =	vand.u32 $0xFFFFFF80, v32;
	v32 =	vand.u32 $0x7F, v32  }
0x78: {  	v16 =	vld.idx.msk [tilespmem:v38+s10+$0x0], $0xffff;
	v38 =	vadd.s32 $0x9, v3;
	v61 =	vand.u32 $0xFFFFFF80, v60;
	v33 =	vadd.s32 v2, v33  }
0x79: {  	v8 =	vld.idx.msk [tilespmem:v8+s12+$0x0], $0xffff;
	v41 =	vand.u32 $0xFFFFFF80, v38;
	v63 =	vor.u32 v32, v33;
	v32 =	vadd.s32 v2, v36  }
0x7a: {  	v19 =	vld.idx.msk [tilespmem:v43+s10+$0x0], $0xffff;
	v43 =	vand.u32 $0x7F, v38;
	v36 =	vadd.s32 $0xC, v4;
	v40 =	vor.u32 v37, v32  }
0x7b: {  	v42 =	vld.idx.msk [tilespmem:v58+s10+$0x0], $0xffff;
	v32 =	vadd.s32 v2, v41;
	v58 =	vadd.s32 $0xA, v5;
	v37 =	vand.u32 $0xFFFFFF80, v36  }
0x7c: {  	v14 =	vld.idx.msk [tilespmem:v14+s11+$0x0], $0xffff;
	v38 =	vand.u32 $0x7F, v36;
	v41 =	vadd.s32 $0xD, v5;
	v6 =	vadd.f32 v7, v6  }
0x7d: {  	v17 =	vld.idx.msk [tilespmem:v17+s11+$0x0], $0xffff;
	v7 =	vadd.s32 v2, v23;
	v23 =	vadd.s32 $0x6, v5;
	v46 =	vor.u32 v43, v32  }
0x7e: {  	v11 =	vld.idx.msk [tilespmem:v11+s11+$0x0], $0xffff;
	v59 =	vand.u32 $0xFFFFFF80, v58;
	v43 =	vand.u32 $0xFFFFFF80, v41;
	v7 =	vor.u32 v9, v7  }
0x7f: {  	v12 =	vld.idx.msk [tilespmem:v12+s12+$0x0], $0xffff;
	v9 =	vadd.s32 v2, v27;
	v27 =	vand.u32 $0xFFFFFF80, v26;
	v26 =	vand.u32 $0x7F, v26  }
0x80: {  	v15 =	vld.idx.msk [tilespmem:v15+s12+$0x0], $0xffff;
	v6 =	vsub.f32 v6, v8;
	v8 =	vadd.s32 v2, v24;
	v9 =	vor.u32 v10, v9  }
0x81: {  	v18 =	vld.idx.msk [tilespmem:v18+s12+$0x0], $0xffff;
	v24 =	vand.u32 $0xFFFFFF80, v23;
	v23 =	vand.u32 $0x7F, v23;
	v27 =	vadd.s32 v2, v27  }
0x82: {  	v10 =	vld.idx.msk [tilespmem:v28+s10+$0x0], $0xffff;
	v28 =	vadd.s32 $0x7, v4;
	v44 =	vadd.f32 v14, v13;
	v47 =	vadd.f32 v17, v16  }
0x83: {  	v20 =	vld.idx.msk [tilespmem:v20+s11+$0x0], $0xffff;
	v13 =	vadd.s32 v2, v59;
	v14 =	vand.u32 $0x7F, v60;
	v60 =	vadd.s32 $0xF, v5  }
0x84: {  	v21 =	vld.idx.msk [tilespmem:v21+s12+$0x0], $0xffff;
	v8 =	vor.u32 v25, v8;
	v24 =	vadd.s32 v2, v24;
	v25 =	vadd.s32 $0x6, v4  }
0x85: {  	v45 =	vld.idx.msk [tilespmem:v29+s11+$0x0], $0xffff;
	v53 =	vor.u32 v26, v27;
	v54 =	vand.u32 $0xFFFFFF80, v28;
	v55 =	vand.u32 $0x7F, v28  }
0x86: {  	v28 =	vand.u32 $0x7F, v56;
	v48 =	vor.u32 v23, v24;
	v24 =	vadd.s32 v2, v52;
	v52 =	vld.idx.msk [tilespmem:v40+s11+$0x0], $0xffff  }
0x87: {  	v27 =	vadd.s32 v2, v57;
	v49 =	vand.u32 $0xFFFFFF80, v25;
	v26 =	vadd.s32 v2, v54;
	v54 =	vld.idx.msk [tilespmem:v46+s12+$0x0], $0xffff  }
0x88: {  	v50 =	vand.u32 $0x7F, v25;
	v25 =	vand.u32 $0x7F, v51;
	v23 =	vadd.s32 v2, v49;
	v7 =	vld.idx.msk [tilespmem:v7+s10+$0x0], $0xffff  }
0x89: {  	v27 =	vor.u32 v28, v27;
	v6 =	vand.u32 $0x7FFFFFFF, v6;
	v23 =	vor.u32 v50, v23;
	v50 =	vld.idx.msk [tilespmem:v63+s10+$0x0], $0xffff  }
0x8a: {  	v28 =	vadd.s32 $0xB, v4;
	v40 =	vadd.s32 $0xC, v3;
	v26 =	vor.u32 v55, v26;
	v9 =	vld.idx.msk [tilespmem:v9+s12+$0x0], $0xffff  }
0x8b: {  	v24 =	vor.u32 v25, v24;
	v49 =	vadd.f32 v20, v19;
	v29 =	vand.u32 $0xFFFFFF80, v28;
	v8 =	vld.idx.msk [tilespmem:v8+s11+$0x0], $0xffff  }
0x8c: {  	v17 =	vand.u32 $0x7F, v28;
	v19 =	vand.u32 $0x7F, v34;
	v10 =	vadd.f32 v11, v10;
	v22 =	vld.idx.msk [tilespmem:v48+s10+$0x0], $0xffff  }
0x8d: {  	v20 =	vand.u32 $0x7F, v40;
	v46 =	vadd.s32 $0xD, v3;
	v11 =	vadd.f32 v45, v42;
	v48 =	vld.idx.msk [tilespmem:v30+s12+$0x0], $0xffff  }
0x8e: {  	v25 =	vld.idx.msk [tilespmem:v53+s10+$0x0], $0xffff;
	v10 =	vsub.f32 v10, v12;
	v12 =	vsub.f32 v47, v18;
	v30 =	vadd.s32 $0xB, v3  }
0x8f: {  	v42 =	vand.u32 $0xFFFFFF80, v40;
	v26 =	vld.idx.msk [tilespmem:v26+s11+$0x0], $0xffff;
	v32 =	vand.u32 $0xFFFFFF80, v30;
	v33 =	vand.u32 $0x7F, v30  }
0x90: {  	v10 =	vand.u32 $0x7FFFFFFF, v10;
	v12 =	vand.u32 $0x7FFFFFFF, v12;
	v57 =	vadd.f32 v52, v50  }
0x91: {  	v23 =	vld.idx.msk [tilespmem:v23+s11+$0x0], $0xffff;
	v50 =	vadd.s32 $0xE, v5;
	v6 =	vadd.f32 v12, v6;
	v7 =	vadd.f32 v8, v7  }
0x92: {  	v12 =	vsub.f32 v57, v54;
	v54 =	vand.u32 $0x7F, v50;
	v11 =	vsub.f32 v11, v48  }
0x93: {  	v48 =	vand.u32 $0xFFFFFF80, v46;
	v7 =	vsub.f32 v7, v9;
	v9 =	vsub.f32 v44, v15  }
0x94: {  	v15 =	vsub.f32 v49, v21;
	v53 =	vadd.f32 v26, v25;
	v25 =	vand.u32 $0x7F, v62  }
0x95: {  	v39 =	vld.idx.msk [tilespmem:v27+s12+$0x0], $0xffff;
	v26 =	vadd.s32 $0xB, v5;
	v21 =	vand.u32 $0x7F, v41;
	v44 =	vadd.s32 $0xD, v4  }
0x96: {  	v49 =	vand.u32 $0x7F, v46;
	v12 =	vand.u32 $0x7FFFFFFF, v12;
	v51 =	vadd.f32 v23, v22  }
0x97: {  	v27 =	vand.u32 $0xFFFFFF80, v26;
	v16 =	vand.u32 $0x7F, v26;
	v23 =	vadd.s32 v2, v43  }
0x98: {  	v24 =	vld.idx.msk [tilespmem:v24+s12+$0x0], $0xffff;
	v22 =	vadd.s32 v2, v42;
	v45 =	vand.u32 $0xFFFFFF80, v44;
	v42 =	vadd.s32 $0xE, v3  }
0x99: {  	v7 =	vand.u32 $0x7FFFFFFF, v7;
	v9 =	vand.u32 $0x7FFFFFFF, v9;
	v55 =	vand.u32 $0x7FFFFFFF, v15  }
0x9a: {  	v8 =	vsub.f32 v53, v39;
	v15 =	vadd.s32 v2, v61;
	v39 =	vadd.s32 v2, v37  }
0x9b: {  	v21 =	vor.u32 v21, v23;
	v23 =	vadd.s32 v2, v45;
	v20 =	vor.u32 v20, v22  }
0x9c: {  	v53 =	vand.u32 $0xFFFFFF80, v50;
	v61 =	vand.u32 $0xFFFFFF80, v60;
	v45 =	vadd.s32 $0xF, v3  }
0x9d: {  	v50 =	vadd.s32 $0x10, v4;
	v18 =	vsub.f32 v51, v24;
	v7 =	vadd.f32 v55, v7  }
0x9e: {  	v63 =	vor.u32 v14, v15;
	v24 =	vand.u32 $0xFFFFFF80, v62;
	v15 =	vadd.s32 v2, v27  }
0x9f: {  	v55 =	vadd.s32 $0xE, v4;
	v62 =	vadd.s32 $0xF, v4;
	v46 =	vand.u32 $0xFFFFFF80, v45  }
0xa0: {  	v8 =	vand.u32 $0x7FFFFFFF, v8;
	v14 =	vadd.s32 v2, v24;
	v15 =	vor.u32 v16, v15  }
0xa1: {  	v24 =	vand.u32 $0x7F, v44;
	v59 =	vand.u32 $0x7F, v55;
	v44 =	vand.u32 $0xFFFFFF80, v42  }
0xa2: {  	v56 =	vand.u32 $0x7FFFFFFF, v18;
	v8 =	vadd.f32 v8, v9;
	v9 =	vand.u32 $0x7FFFFFFF, v11  }
0xa3: {  	v11 =	vand.u32 $0x7F, v58;
	v14 =	vor.u32 v25, v14;
	v18 =	vadd.s32 v2, v29  }
0xa4: {  	v47 =	vor.u32 v24, v23;
	v23 =	vadd.s32 v2, v48;
	v58 =	vand.u32 $0xFFFFFF80, v55  }
0xa5: {  	v25 =	vand.u32 $0x7F, v60;
	v24 =	vadd.s32 v2, v61;
	v29 =	vand.u32 $0x7F, v62  }
0xa6: {  	v7 =	vadd.f32 v12, v7;
	v10 =	vadd.f32 v56, v10;
	v11 =	vor.u32 v11, v13;
	v56 =	vld.idx.msk [tilespmem:v21+s10+$0x0], $0xffff  }
0xa7: {  	v12 =	vadd.s32 v2, v44;
	v31 =	vor.u32 v17, v18;
	v17 =	vadd.s32 v2, v32;
	v13 =	vld.idx.msk [tilespmem:v63+s11+$0x0], $0xffff  }
0xa8: {  	v60 =	vadd.s32 $0x11, v3;
	v18 =	vadd.s32 v2, v35;
	v17 =	vor.u32 v33, v17;
	v15 =	vld.idx.msk [tilespmem:v15+s10+$0x0], $0xffff  }
0xa9: {  	v52 =	vor.u32 v49, v23;
	v23 =	vadd.s32 v2, v53;
	v18 =	vor.u32 v19, v18;
	v14 =	vld.idx.msk [tilespmem:v14+s12+$0x0], $0xffff  }
0xaa: {  	v24 =	vor.u32 v25, v24;
	v61 =	vand.u32 $0xFFFFFF80, v60;
	v19 =	vor.u32 v38, v39;
	v22 =	vld.idx.msk [tilespmem:v47+s11+$0x0], $0xffff  }
0xab: {  	v57 =	vor.u32 v54, v23;
	v23 =	vadd.s32 v2, v58;
	v63 =	vand.u32 $0xFFFFFF80, v62;
	v11 =	vld.idx.msk [tilespmem:v11+s10+$0x0], $0xffff  }
0xac: {  	v33 =	vadd.f32 v9, v6;
	v54 =	vadd.s32 $0x11, v5;
	v30 =	vadd.s32 v2, v63;
	v16 =	vld.idx.msk [tilespmem:v31+s11+$0x0], $0xffff  }
0xad: {  	v58 =	vadd.s32 $0x11, v4;
	v21 =	vadd.s32 v2, v61;
	v32 =	vor.u32 v29, v30;
	v17 =	vld.idx.msk [tilespmem:v17+s12+$0x0], $0xffff  }
0xae: {  	v23 =	vor.u32 v59, v23;
	v59 =	vand.u32 $0xFFFFFF80, v58;
	v62 =	vadd.s32 $0x12, v5;
	v51 =	vld.idx.msk [tilespmem:v18+s10+$0x0], $0xffff  }
0xaf: {  	v28 =	vand.u32 $0xFFFFFF80, v62;
	v47 =	vadd.s32 $0x10, v5;
	v29 =	vand.u32 $0x7F, v62;
	v19 =	vld.idx.msk [tilespmem:v19+s11+$0x0], $0xffff  }
0xb0: {  	v30 =	vadd.s32 $0x12, v4;
	v48 =	vand.u32 $0xFFFFFF80, v47;
	v18 =	vld.idx.msk [tilespmem:v52+s12+$0x0], $0xffff;
	v52 =	vadd.s32 $0x10, v3  }
0xb1: {  	v49 =	vand.u32 $0x7F, v47;
	v35 =	vld.idx.msk [tilespmem:v57+s10+$0x0], $0xffff;
	v57 =	vand.u32 $0x7F, v54;
	v53 =	vand.u32 $0xFFFFFF80, v52  }
0xb2: {  	v43 =	vld.idx.msk [tilespmem:v32+s11+$0x0], $0xffff;
	v32 =	vadd.s32 $0x12, v3;
	v11 =	vadd.f32 v13, v11;
	v15 =	vadd.f32 v16, v15  }
0xb3: {  	v20 =	vld.idx.msk [tilespmem:v20+s12+$0x0], $0xffff;
	v16 =	vadd.f32 v22, v56;
	v56 =	vand.u32 $0xFFFFFF80, v54;
	v22 =	vand.u32 $0x7F, v30  }
0xb4: {  	v38 =	vld.idx.msk [tilespmem:v23+s11+$0x0], $0xffff;
	v23 =	vand.u32 $0x7F, v32;
	v54 =	vadd.s32 $0x15, v4;
	v13 =	vadd.f32 v19, v51  }
0xb5: {  	v51 =	vand.u32 $0xFFFFFF80, v50;
	v19 =	vand.u32 $0x7F, v58;
	v11 =	vsub.f32 v11, v14  }
0xb6: {  	v31 =	vsub.f32 v15, v17;
	v37 =	vsub.f32 v16, v18;
	v15 =	vand.u32 $0x7F, v45  }
0xb7: {  	v14 =	vadd.s32 v2, v48;
	v16 =	vand.u32 $0x7F, v50;
	v17 =	vand.u32 $0x7F, v52  }
0xb8: {  	v18 =	vadd.s32 v2, v53;
	v48 =	vadd.s32 $0x14, v3;
	v50 =	vadd.s32 $0x15, v5  }
0xb9: {  	v13 =	vsub.f32 v13, v20;
	v14 =	vor.u32 v49, v14;
	v55 =	vor.u32 v17, v18  }
0xba: {  	v17 =	vadd.s32 v2, v56;
	v18 =	vadd.s32 v2, v59;
	v20 =	vand.u32 $0x7F, v60  }
0xbb: {  	v49 =	vand.u32 $0xFFFFFF80, v48;
	v52 =	vand.u32 $0xFFFFFF80, v50;
	v53 =	vand.u32 $0x7F, v50  }
0xbc: {  	v56 =	vadd.s32 $0x15, v3;
	v50 =	vadd.s32 $0x17, v4;
	v34 =	vand.u32 $0x7FFFFFFF, v11  }
0xbd: {  	v39 =	vld.idx.msk [tilespmem:v24+s10+$0x0], $0xffff;
	v36 =	vand.u32 $0x7FFFFFFF, v31;
	v41 =	vand.u32 $0x7FFFFFFF, v37;
	v11 =	vadd.f32 v38, v35  }
0xbe: {  	v17 =	vor.u32 v57, v17;
	v18 =	vor.u32 v19, v18;
	v63 =	vor.u32 v20, v21  }
0xbf: {  	v20 =	vadd.s32 v2, v28;
	v31 =	vand.u32 $0xFFFFFF80, v30;
	v38 =	vadd.s32 $0x13, v4  }
0xc0: {  	v30 =	vadd.s32 v2, v49;
	v57 =	vadd.s32 $0x16, v5;
	v58 =	vand.u32 $0xFFFFFF80, v56  }
0xc1: {  	v9 =	vadd.f32 v34, v10;
	v6 =	vadd.f32 v36, v8;
	v40 =	vand.u32 $0x7FFFFFFF, v13  }
0xc2: {  	v7 =	vadd.f32 v41, v7;
	v13 =	vand.u32 $0x7F, v42;
	v10 =	vadd.f32 v43, v39  }
0xc3: {  	v20 =	vor.u32 v29, v20;
	v21 =	vadd.s32 v2, v31;
	v34 =	vadd.s32 $0x13, v5  }
0xc4: {  	v39 =	vand.u32 $0xFFFFFF80, v38;
	v25 =	vand.u32 $0x7F, v38;
	v42 =	vadd.s32 $0x14, v5  }
0xc5: {  	v29 =	vand.u32 $0x7F, v48;
	v31 =	vand.u32 $0x7F, v54;
	v59 =	vand.u32 $0xFFFFFF80, v57  }
0xc6: {  	v48 =	vadd.s32 $0x17, v5;
	v8 =	vadd.f32 v40, v33;
	v12 =	vor.u32 v13, v12  }
0xc7: {  	v13 =	vadd.s32 v2, v46;
	v33 =	vand.u32 $0xFFFFFF80, v32;
	v21 =	vor.u32 v22, v21  }
0xc8: {  	v36 =	vand.u32 $0xFFFFFF80, v34;
	v37 =	vand.u32 $0x7F, v34;
	v40 =	vadd.s32 $0x13, v3  }
0xc9: {  	v44 =	vand.u32 $0xFFFFFF80, v42;
	v45 =	vand.u32 $0x7F, v42;
	v46 =	vadd.s32 $0x14, v4  }
0xca: {  	v34 =	vadd.s32 v2, v59;
	v32 =	vand.u32 $0x7F, v56;
	v49 =	vand.u32 $0xFFFFFF80, v48  }
0xcb: {  	v13 =	vor.u32 v15, v13;
	v15 =	vadd.s32 v2, v51;
	v24 =	vadd.s32 v2, v33  }
0xcc: {  	v41 =	vand.u32 $0xFFFFFF80, v40;
	v26 =	vand.u32 $0x7F, v40;
	v47 =	vand.u32 $0xFFFFFF80, v46;
	v14 =	vld.idx.msk [tilespmem:v14+s10+$0x0], $0xffff  }
0xcd: {  	v28 =	vand.u32 $0x7F, v46;
	v51 =	vor.u32 v29, v30;
	v15 =	vor.u32 v16, v15;
	v16 =	vld.idx.msk [tilespmem:v55+s12+$0x0], $0xffff  }
0xce: {  	v29 =	vadd.s32 v2, v52;
	v33 =	vand.u32 $0x7F, v57;
	v52 =	vadd.s32 $0x17, v3;
	v17 =	vld.idx.msk [tilespmem:v17+s10+$0x0], $0xffff  }
0xcf: {  	v35 =	vor.u32 v23, v24;
	v23 =	vadd.s32 v2, v36;
	v24 =	vadd.s32 v2, v39;
	v18 =	vld.idx.msk [tilespmem:v18+s11+$0x0], $0xffff  }
0xd0: {  	v27 =	vadd.s32 v2, v41;
	v29 =	vor.u32 v53, v29;
	v55 =	vand.u32 $0xFFFFFF80, v54;
	v19 =	vld.idx.msk [tilespmem:v63+s12+$0x0], $0xffff  }
0xd1: {  	v33 =	vor.u32 v33, v34;
	v36 =	vadd.s32 $0x16, v3;
	v53 =	vand.u32 $0xFFFFFF80, v52;
	v20 =	vld.idx.msk [tilespmem:v20+s10+$0x0], $0xffff  }
0xd2: {  	v54 =	vadd.s32 $0x18, v5;
	v23 =	vor.u32 v37, v23;
	v24 =	vor.u32 v25, v24;
	v12 =	vld.idx.msk [tilespmem:v12+s12+$0x0], $0xffff  }
0xd3: {  	v43 =	vor.u32 v26, v27;
	v26 =	vadd.s32 v2, v44;
	v27 =	vadd.s32 v2, v47;
	v21 =	vld.idx.msk [tilespmem:v21+s11+$0x0], $0xffff  }
0xd4: {  	v30 =	vadd.s32 v2, v55;
	v61 =	vand.u32 $0xFFFFFF80, v36;
	v62 =	vand.u32 $0x7F, v36;
	v13 =	vld.idx.msk [tilespmem:v13+s12+$0x0], $0xffff  }
0xd5: {  	v56 =	vand.u32 $0xFFFFFF80, v54;
	v57 =	vand.u32 $0x7F, v54;
	v27 =	vor.u32 v28, v27;
	v28 =	vld.idx.msk [tilespmem:v51+s12+$0x0], $0xffff  }
0xd6: {  	v54 =	vadd.s32 $0x1C, v5;
	v30 =	vor.u32 v31, v30;
	v31 =	vadd.s32 v2, v58;
	v15 =	vld.idx.msk [tilespmem:v15+s11+$0x0], $0xffff  }
0xd7: {  	v58 =	vadd.s32 $0x18, v4;
	v31 =	vor.u32 v32, v31;
	v22 =	vld.idx.msk [tilespmem:v35+s12+$0x0], $0xffff;
	v35 =	vadd.s32 $0x16, v4  }
0xd8: {  	v26 =	vor.u32 v45, v26;
	v59 =	vand.u32 $0xFFFFFF80, v58;
	v29 =	vld.idx.msk [tilespmem:v29+s10+$0x0], $0xffff;
	v60 =	vand.u32 $0xFFFFFF80, v35  }
0xd9: {  	v51 =	vand.u32 $0xFFFFFF80, v50;
	v38 =	vld.idx.msk [tilespmem:v33+s10+$0x0], $0xffff;
	v35 =	vand.u32 $0x7F, v35;
	v34 =	vadd.s32 v2, v60  }
0xda: {  	v33 =	vadd.s32 $0x19, v3;
	v23 =	vld.idx.msk [tilespmem:v23+s10+$0x0], $0xffff;
	v60 =	vadd.s32 $0x18, v3;
	v34 =	vor.u32 v35, v34  }
0xdb: {  	v24 =	vld.idx.msk [tilespmem:v24+s11+$0x0], $0xffff;
	v35 =	vadd.s32 v2, v61;
	v11 =	vsub.f32 v11, v12;
	v37 =	vadd.f32 v21, v20  }
0xdc: {  	v42 =	vld.idx.msk [tilespmem:v31+s12+$0x0], $0xffff;
	v61 =	vand.u32 $0xFFFFFF80, v60;
	v31 =	vadd.s32 $0x19, v4;
	v32 =	vor.u32 v62, v35  }
0xdd: {  	v26 =	vld.idx.msk [tilespmem:v26+s10+$0x0], $0xffff;
	v10 =	vsub.f32 v10, v13;
	v35 =	vadd.f32 v18, v17;
	v17 =	vadd.s32 v2, v53  }
0xde: {  	v27 =	vld.idx.msk [tilespmem:v27+s11+$0x0], $0xffff;
	v18 =	vand.u32 $0x7F, v58;
	v20 =	vadd.s32 v2, v61;
	v62 =	vadd.s32 $0x19, v5  }
0xdf: {  	v36 =	vld.idx.msk [tilespmem:v30+s11+$0x0], $0xffff;
	v21 =	vand.u32 $0x7F, v31;
	v58 =	vadd.s32 $0x1C, v4;
	v63 =	vadd.f32 v15, v14  }
0xe0: {  	v11 =	vand.u32 $0x7FFFFFFF, v11;
	v15 =	vand.u32 $0x7F, v50;
	v30 =	vand.u32 $0x7F, v62  }
0xe1: {  	v25 =	vld.idx.msk [tilespmem:v43+s12+$0x0], $0xffff;
	v9 =	vadd.f32 v11, v9;
	v10 =	vand.u32 $0x7FFFFFFF, v10;
	v39 =	vsub.f32 v35, v19  }
0xe2: {  	v41 =	vadd.f32 v24, v23;
	v19 =	vand.u32 $0x7F, v60;
	v12 =	vsub.f32 v63, v16  }
0xe3: {  	v35 =	vadd.s32 $0x1A, v5;
	v16 =	vsub.f32 v37, v22;
	v6 =	vadd.f32 v10, v6  }
0xe4: {  	v60 =	vand.u32 $0x7F, v58;
	v47 =	vadd.f32 v27, v26;
	v14 =	vadd.f32 v36, v29  }
0xe5: {  	v63 =	vor.u32 v19, v20;
	v29 =	vand.u32 $0xFFFFFF80, v62;
	v22 =	vand.u32 $0x7F, v33  }
0xe6: {  	v37 =	vand.u32 $0xFFFFFF80, v35;
	v43 =	vand.u32 $0x7FFFFFFF, v39;
	v46 =	vsub.f32 v41, v25  }
0xe7: {  	v40 =	vld.idx.msk [tilespmem:v34+s11+$0x0], $0xffff;
	v19 =	vadd.s32 v2, v29;
	v34 =	vand.u32 $0xFFFFFF80, v33;
	v39 =	vadd.s32 $0x1A, v4  }
0xe8: {  	v41 =	vadd.s32 $0x1A, v3;
	v12 =	vand.u32 $0x7FFFFFFF, v12;
	v7 =	vadd.f32 v43, v7  }
0xe9: {  	v45 =	vand.u32 $0x7FFFFFFF, v16;
	v10 =	vsub.f32 v47, v28;
	v14 =	vsub.f32 v14, v42  }
0xea: {  	v44 =	vld.idx.msk [tilespmem:v32+s12+$0x0], $0xffff;
	v16 =	vand.u32 $0x7F, v52;
	v19 =	vor.u32 v30, v19;
	v32 =	vand.u32 $0xFFFFFF80, v31  }
0xeb: {  	v23 =	vadd.s32 v2, v34;
	v24 =	vand.u32 $0x7F, v39;
	v42 =	vadd.s32 $0x1B, v5  }
0xec: {  	v43 =	vand.u32 $0xFFFFFF80, v41;
	v25 =	vand.u32 $0x7F, v41;
	v47 =	vadd.s32 $0x1B, v3  }
0xed: {  	v30 =	vadd.s32 $0x1D, v4;
	v34 =	vadd.s32 $0x1D, v3;
	v8 =	vadd.f32 v12, v8  }
0xee: {  	v9 =	vadd.f32 v45, v9;
	v12 =	vand.u32 $0x7FFFFFFF, v46;
	v55 =	vor.u32 v16, v17  }
0xef: {  	v16 =	vadd.s32 v2, v56;
	v17 =	vadd.s32 v2, v59;
	v20 =	vadd.s32 v2, v32  }
0xf0: {  	v36 =	vor.u32 v22, v23;
	v22 =	vadd.s32 v2, v37;
	v26 =	vand.u32 $0x7F, v42  }
0xf1: {  	v45 =	vadd.s32 $0x1B, v4;
	v59 =	vand.u32 $0xFFFFFF80, v58;
	v32 =	vand.u32 $0xFFFFFF80, v30  }
0xf2: {  	v33 =	vand.u32 $0x7F, v30;
	v58 =	vadd.s32 $0x20, v3;
	v6 =	vadd.f32 v12, v6  }
0xf3: {  	v12 =	vand.u32 $0x7F, v48;
	v16 =	vor.u32 v57, v16;
	v17 =	vor.u32 v18, v17  }
0xf4: {  	v20 =	vor.u32 v21, v20;
	v46 =	vand.u32 $0xFFFFFF80, v45;
	v28 =	vand.u32 $0x7F, v45  }
0xf5: {  	v48 =	vand.u32 $0xFFFFFF80, v47;
	v10 =	vand.u32 $0x7FFFFFFF, v10;
	v14 =	vand.u32 $0x7FFFFFFF, v14  }
0xf6: {  	v57 =	vand.u32 $0xFFFFFF80, v54;
	v61 =	vadd.s32 v2, v59;
	v8 =	vadd.f32 v10, v8  }
0xf7: {  	v59 =	vand.u32 $0xFFFFFF80, v58;
	v7 =	vadd.f32 v14, v7;
	v13 =	vadd.f32 v40, v38  }
0xf8: {  	v38 =	vand.u32 $0x7F, v35;
	v40 =	vand.u32 $0xFFFFFF80, v39;
	v35 =	vand.u32 $0xFFFFFF80, v34  }
0xf9: {  	v22 =	vor.u32 v38, v22;
	v23 =	vadd.s32 v2, v40;
	v38 =	vadd.s32 $0x1E, v4  }
0xfa: {  	v11 =	vsub.f32 v13, v44;
	v13 =	vadd.s32 v2, v49;
	v23 =	vor.u32 v24, v23  }
0xfb: {  	v18 =	vld.idx.msk [tilespmem:v63+s12+$0x0], $0xffff;
	v44 =	vand.u32 $0xFFFFFF80, v42;
	v24 =	vadd.s32 v2, v43;
	v49 =	vand.u32 $0x7F, v47  }
0xfc: {  	v21 =	vld.idx.msk [tilespmem:v36+s12+$0x0], $0xffff;
	v36 =	vadd.s32 $0x1E, v5;
	v40 =	vand.u32 $0xFFFFFF80, v38;
	v41 =	vand.u32 $0x7F, v38  }
0xfd: {  	v19 =	vld.idx.msk [tilespmem:v19+s10+$0x0], $0xffff;
	v42 =	vadd.s32 $0x1E, v3;
	v38 =	vadd.s32 $0x22, v4;
	v12 =	vor.u32 v12, v13  }
0xfe: {  	v13 =	vadd.s32 v2, v51;
	v16 =	vld.idx.msk [tilespmem:v16+s10+$0x0], $0xffff;
	v27 =	vadd.s32 v2, v44;
	v24 =	vor.u32 v25, v24  }
0xff: {  	v17 =	vld.idx.msk [tilespmem:v17+s11+$0x0], $0xffff;
	v37 =	vand.u32 $0xFFFFFF80, v36;
	v43 =	vand.u32 $0xFFFFFF80, v42;
	v44 =	vadd.s32 $0x1F, v5  }
0x100: {  	v20 =	vld.idx.msk [tilespmem:v20+s11+$0x0], $0xffff;
	v13 =	vor.u32 v15, v13;
	v26 =	vor.u32 v26, v27;
	v27 =	vadd.s32 v2, v46  }
0x101: {  	v15 =	vld.idx.msk [tilespmem:v55+s12+$0x0], $0xffff;
	v50 =	vand.u32 $0x7FFFFFFF, v11;
	v45 =	vand.u32 $0xFFFFFF80, v44;
	v46 =	vadd.s32 $0x1F, v4  }
0x102: {  	v27 =	vor.u32 v28, v27;
	v28 =	vadd.s32 v2, v48;
	v10 =	vadd.f32 v50, v9;
	v22 =	vld.idx.msk [tilespmem:v22+s10+$0x0], $0xffff  }
0x103: {  	v48 =	vand.u32 $0xFFFFFF80, v46;
	v50 =	vadd.s32 $0x1F, v3;
	v25 =	vor.u32 v49, v28;
	v51 =	vld.idx.msk [tilespmem:v23+s11+$0x0], $0xffff  }
0x104: {  	v28 =	vadd.s32 $0x1D, v5;
	v49 =	vand.u32 $0x7F, v46;
	v46 =	vadd.s32 $0x23, v4;
	v12 =	vld.idx.msk [tilespmem:v12+s10+$0x0], $0xffff  }
0x105: {  	v29 =	vand.u32 $0xFFFFFF80, v28;
	v55 =	vadd.f32 v17, v16;
	v24 =	vld.idx.msk [tilespmem:v24+s12+$0x0], $0xffff;
	v17 =	vadd.s32 v2, v57  }
0x106: {  	v62 =	vadd.f32 v20, v19;
	v16 =	vand.u32 $0x7F, v36;
	v19 =	vand.u32 $0x7F, v44;
	v13 =	vld.idx.msk [tilespmem:v13+s11+$0x0], $0xffff  }
0x107: {  	v36 =	vadd.s32 $0x22, v5;
	v44 =	vadd.s32 $0x23, v5;
	v53 =	vld.idx.msk [tilespmem:v26+s10+$0x0], $0xffff;
	v26 =	vadd.s32 $0x1C, v3  }
0x108: {  	v56 =	vld.idx.msk [tilespmem:v27+s11+$0x0], $0xffff;
	v14 =	vsub.f32 v55, v18;
	v18 =	vand.u32 $0x7F, v42;
	v42 =	vadd.s32 $0x22, v3  }
0x109: {  	v27 =	vand.u32 $0xFFFFFF80, v26;
	v30 =	vand.u32 $0x7F, v42;
	v11 =	vadd.f32 v51, v22  }
0x10a: {  	v20 =	vand.u32 $0x7FFFFFFF, v14;
	v14 =	vand.u32 $0x7F, v28;
	v51 =	vand.u32 $0xFFFFFF80, v50  }
0x10b: {  	v25 =	vld.idx.msk [tilespmem:v25+s12+$0x0], $0xffff;
	v28 =	vand.u32 $0x7F, v36;
	v52 =	vadd.f32 v13, v12;
	v13 =	vand.u32 $0x7F, v54  }
0x10c: {  	v11 =	vsub.f32 v11, v24;
	v54 =	vadd.s32 $0x20, v4;
	v13 =	vor.u32 v13, v17  }
0x10d: {  	v17 =	vor.u32 v60, v61;
	v12 =	vadd.f32 v56, v53;
	v56 =	vand.u32 $0xFFFFFF80, v54  }
0x10e: {  	v57 =	vand.u32 $0x7F, v54;
	v60 =	vadd.s32 $0x21, v5;
	v9 =	vsub.f32 v52, v15  }
0x10f: {  	v15 =	vsub.f32 v62, v21;
	v24 =	vand.u32 $0x7FFFFFFF, v11;
	v52 =	vadd.s32 $0x20, v5  }
0x110: {  	v61 =	vand.u32 $0xFFFFFF80, v60;
	v62 =	vadd.s32 $0x21, v4;
	v22 =	vsub.f32 v12, v25  }
0x111: {  	v53 =	vand.u32 $0xFFFFFF80, v52;
	v9 =	vand.u32 $0x7FFFFFFF, v9;
	v21 =	vand.u32 $0x7FFFFFFF, v15  }
0x112: {  	v15 =	vand.u32 $0x7F, v34;
	v63 =	vadd.f32 v9, v6;
	v9 =	vadd.f32 v20, v8  }
0x113: {  	v34 =	vadd.s32 $0x21, v3;
	v6 =	vadd.f32 v21, v7;
	v7 =	vadd.f32 v24, v10  }
0x114: {  	v8 =	vand.u32 $0x7FFFFFFF, v22;
	v10 =	vadd.s32 v2, v27;
	v20 =	vadd.s32 v2, v45  }
0x115: {  	v21 =	vand.u32 $0x7F, v50;
	v22 =	vand.u32 $0x7F, v52;
	v24 =	vand.u32 $0x7F, v58  }
0x116: {  	v27 =	vand.u32 $0x7F, v34;
	v45 =	vand.u32 $0xFFFFFF80, v44;
	v50 =	vadd.s32 $0x23, v3;
	v23 =	vld.idx.msk [tilespmem:v13+s10+$0x0], $0xffff  }
0x117: {  	v25 =	vld.idx.msk [tilespmem:v17+s11+$0x0], $0xffff;
	v13 =	vand.u32 $0x7F, v26;
	v17 =	vadd.s32 v2, v37;
	v47 =	vor.u32 v19, v20  }
0x118: {  	v19 =	vadd.s32 v2, v48;
	v20 =	vadd.s32 v2, v51;
	v26 =	vadd.s32 v2, v61  }
0x119: {  	v37 =	vand.u32 $0xFFFFFF80, v36;
	v48 =	vand.u32 $0xFFFFFF80, v46;
	v36 =	vadd.s32 $0x24, v4  }
0x11a: {  	v8 =	vadd.f32 v8, v63;
	v10 =	vor.u32 v13, v10;
	v13 =	vadd.s32 v2, v29  }
0x11b: {  	v39 =	vor.u32 v16, v17;
	v16 =	vadd.s32 v2, v40;
	v17 =	vadd.s32 v2, v43  }
0x11c: {  	v19 =	vor.u32 v49, v19;
	v20 =	vor.u32 v21, v20;
	v29 =	vadd.s32 v2, v37  }
0x11d: {  	v40 =	vand.u32 $0xFFFFFF80, v38;
	v43 =	vand.u32 $0xFFFFFF80, v42;
	v49 =	vand.u32 $0x7F, v46  }
0x11e: {  	v37 =	vand.u32 $0xFFFFFF80, v36;
	v42 =	vadd.s32 $0x25, v5;
	v46 =	vadd.s32 $0x25, v3  }
0x11f: {  	v31 =	vor.u32 v14, v13;
	v13 =	vadd.s32 v2, v32;
	v14 =	vadd.s32 v2, v35  }
0x120: {  	v16 =	vor.u32 v41, v16;
	v17 =	vor.u32 v18, v17;
	v32 =	vand.u32 $0xFFFFFF80, v62  }
0x121: {  	v35 =	vand.u32 $0xFFFFFF80, v34;
	v41 =	vand.u32 $0x7F, v38;
	v34 =	vadd.s32 $0x24, v5  }
0x122: {  	v38 =	vadd.s32 $0x24, v3;
	v13 =	vor.u32 v33, v13;
	v14 =	vor.u32 v15, v14  }
0x123: {  	v33 =	vand.u32 $0x7F, v62;
	v11 =	vadd.f32 v25, v23;
	v23 =	vadd.s32 v2, v53;
	v18 =	vld.idx.msk [tilespmem:v47+s10+$0x0], $0xffff  }
0x124: {  	v25 =	vand.u32 $0x7F, v60;
	v53 =	vand.u32 $0xFFFFFF80, v50;
	v55 =	vor.u32 v22, v23;
	v10 =	vld.idx.msk [tilespmem:v10+s12+$0x0], $0xffff  }
0x125: {  	v22 =	vadd.s32 v2, v56;
	v23 =	vadd.s32 v2, v59;
	v63 =	vor.u32 v25, v26;
	v15 =	vld.idx.msk [tilespmem:v39+s10+$0x0], $0xffff  }
0x126: {  	v25 =	vadd.s32 v2, v32;
	v26 =	vadd.s32 v2, v35;
	v19 =	vld.idx.msk [tilespmem:v19+s11+$0x0], $0xffff;
	v39 =	vor.u32 v28, v29  }
0x127: {  	v20 =	vld.idx.msk [tilespmem:v20+s12+$0x0], $0xffff;
	v28 =	vadd.s32 v2, v40;
	v29 =	vadd.s32 v2, v43;
	v32 =	vadd.s32 v2, v45  }
0x128: {  	v35 =	vand.u32 $0xFFFFFF80, v34;
	v40 =	vand.u32 $0xFFFFFF80, v38;
	v43 =	vand.u32 $0xFFFFFF80, v42;
	v12 =	vld.idx.msk [tilespmem:v31+s10+$0x0], $0xffff  }
0x129: {  	v22 =	vor.u32 v57, v22;
	v23 =	vor.u32 v24, v23;
	v16 =	vld.idx.msk [tilespmem:v16+s11+$0x0], $0xffff;
	v25 =	vor.u32 v33, v25  }
0x12a: {  	v17 =	vld.idx.msk [tilespmem:v17+s12+$0x0], $0xffff;
	v26 =	vor.u32 v27, v26;
	v28 =	vor.u32 v41, v28;
	v31 =	vand.u32 $0x7F, v44  }
0x12b: {  	v29 =	vor.u32 v30, v29;
	v41 =	vand.u32 $0x7F, v38;
	v44 =	vadd.s32 $0x25, v4;
	v13 =	vld.idx.msk [tilespmem:v13+s11+$0x0], $0xffff  }
0x12c: {  	v14 =	vld.idx.msk [tilespmem:v14+s12+$0x0], $0xffff;
	v47 =	vor.u32 v31, v32;
	v31 =	vadd.s32 v2, v48;
	v45 =	vand.u32 $0xFFFFFF80, v44  }
0x12d: {  	v48 =	vand.u32 $0xFFFFFF80, v46;
	v52 =	vor.u32 v49, v31;
	v31 =	vadd.s32 v2, v53;
	v21 =	vld.idx.msk [tilespmem:v55+s10+$0x0], $0xffff  }
0x12e: {  	v49 =	vand.u32 $0x7F, v46;
	v24 =	vld.idx.msk [tilespmem:v63+s10+$0x0], $0xffff;
	v10 =	vsub.f32 v11, v10;
	v55 =	vand.u32 $0x7F, v50  }
0x12f: {  	v51 =	vld.idx.msk [tilespmem:v39+s10+$0x0], $0xffff;
	v18 =	vadd.f32 v19, v18;
	v50 =	vadd.s32 $0x26, v5;
	v56 =	vadd.f32 v16, v15  }
0x130: {  	v22 =	vld.idx.msk [tilespmem:v22+s11+$0x0], $0xffff;
	v58 =	vor.u32 v55, v31;
	v16 =	vand.u32 $0x7F, v44;
	v12 =	vadd.f32 v13, v12  }
0x131: {  	v25 =	vld.idx.msk [tilespmem:v25+s11+$0x0], $0xffff;
	v10 =	vand.u32 $0x7FFFFFFF, v10;
	v63 =	vsub.f32 v18, v20;
	v13 =	vand.u32 $0x7F, v36  }
0x132: {  	v54 =	vld.idx.msk [tilespmem:v28+s11+$0x0], $0xffff;
	v18 =	vand.u32 $0x7F, v50;
	v9 =	vadd.f32 v10, v9;
	v61 =	vsub.f32 v56, v17  }
0x133: {  	v27 =	vld.idx.msk [tilespmem:v52+s11+$0x0], $0xffff;
	v17 =	vadd.s32 v2, v45;
	v52 =	vadd.s32 $0x26, v4;
	v56 =	vadd.s32 $0x26, v3  }
0x134: {  	v60 =	vld.idx.msk [tilespmem:v29+s12+$0x0], $0xffff;
	v12 =	vsub.f32 v12, v14;
	v29 =	vand.u32 $0x7FFFFFFF, v63;
	v14 =	vadd.s32 v2, v37  }
0x135: {  	v62 =	vld.idx.msk [tilespmem:v47+s10+$0x0], $0xffff;
	v47 =	vor.u32 v16, v17;
	v16 =	vadd.s32 v2, v48;
	v53 =	vand.u32 $0xFFFFFF80, v52  }
0x136: {  	v19 =	vand.u32 $0x7F, v56;
	v10 =	vand.u32 $0x7FFFFFFF, v61;
	v8 =	vadd.f32 v29, v8  }
0x137: {  	v39 =	vor.u32 v13, v14;
	v13 =	vadd.s32 v2, v40;
	v14 =	vadd.s32 v2, v43  }
0x138: {  	v16 =	vor.u32 v49, v16;
	v55 =	vadd.s32 v2, v53;
	v40 =	vadd.s32 $0x29, v5  }
0x139: {  	v59 =	vadd.f32 v22, v21;
	v12 =	vand.u32 $0x7FFFFFFF, v12;
	v28 =	vadd.f32 v25, v24  }
0x13a: {  	v23 =	vld.idx.msk [tilespmem:v23+s12+$0x0], $0xffff;
	v11 =	vadd.f32 v54, v51;
	v7 =	vadd.f32 v10, v7;
	v10 =	vand.u32 $0x7F, v34  }
0x13b: {  	v57 =	vld.idx.msk [tilespmem:v26+s12+$0x0], $0xffff;
	v13 =	vor.u32 v41, v13;
	v51 =	vand.u32 $0xFFFFFF80, v50;
	v54 =	vand.u32 $0x7F, v52  }
0x13c: {  	v30 =	vld.idx.msk [tilespmem:v58+s12+$0x0], $0xffff;
	v58 =	vand.u32 $0xFFFFFF80, v56;
	v41 =	vand.u32 $0xFFFFFF80, v40;
	v24 =	vand.u32 $0x7F, v40  }
0x13d: {  	v52 =	vadd.s32 $0x28, v3;
	v25 =	vadd.s32 $0x2B, v5;
	v6 =	vadd.f32 v12, v6  }
0x13e: {  	v12 =	vadd.s32 v2, v35;
	v17 =	vadd.s32 v2, v51;
	v21 =	vadd.s32 v2, v58  }
0x13f: {  	v35 =	vadd.s32 $0x28, v4;
	v53 =	vand.u32 $0xFFFFFF80, v52;
	v26 =	vsub.f32 v59, v23  }
0x140: {  	v58 =	vadd.s32 $0x2A, v5;
	v15 =	vsub.f32 v28, v57;
	v11 =	vsub.f32 v11, v60  }
0x141: {  	v33 =	vadd.f32 v27, v62;
	v10 =	vor.u32 v10, v12;
	v17 =	vor.u32 v18, v17  }
0x142: {  	v18 =	vor.u32 v54, v55;
	v57 =	vadd.s32 $0x27, v5;
	v60 =	vadd.s32 $0x27, v4  }
0x143: {  	v62 =	vadd.s32 $0x27, v3;
	v19 =	vor.u32 v19, v21;
	v38 =	vand.u32 $0xFFFFFF80, v35  }
0x144: {  	v54 =	vadd.s32 $0x29, v3;
	v27 =	vadd.s32 $0x2B, v4;
	v59 =	vand.u32 $0xFFFFFF80, v57  }
0x145: {  	v20 =	vand.u32 $0x7F, v57;
	v61 =	vand.u32 $0xFFFFFF80, v60;
	v23 =	vand.u32 $0x7F, v60  }
0x146: {  	v28 =	vand.u32 $0xFFFFFF80, v62;
	v29 =	vand.u32 $0x7F, v62;
	v55 =	vand.u32 $0xFFFFFF80, v54  }
0x147: {  	v56 =	vand.u32 $0x7F, v54;
	v60 =	vadd.s32 $0x2A, v4;
	v62 =	vadd.s32 $0x2A, v3  }
0x148: {  	v31 =	vand.u32 $0x7FFFFFFF, v26;
	v32 =	vand.u32 $0x7FFFFFFF, v15;
	v11 =	vand.u32 $0x7FFFFFFF, v11  }
0x149: {  	v15 =	vand.u32 $0x7F, v42;
	v12 =	vld.idx.msk [tilespmem:v39+s11+$0x0], $0xffff;
	v22 =	vadd.s32 v2, v59;
	v39 =	vand.u32 $0x7F, v35  }
0x14a: {  	v42 =	vadd.s32 $0x29, v4;
	v57 =	vadd.s32 v2, v55;
	v59 =	vand.u32 $0xFFFFFF80, v58  }
0x14b: {  	v26 =	vand.u32 $0xFFFFFF80, v25;
	v9 =	vadd.f32 v31, v9;
	v6 =	vadd.f32 v32, v6  }
0x14c: {  	v35 =	vadd.s32 $0x2C, v4;
	v7 =	vadd.f32 v11, v7;
	v11 =	vsub.f32 v33, v30  }
0x14d: {  	v14 =	vor.u32 v15, v14;
	v20 =	vor.u32 v20, v22;
	v22 =	vadd.s32 v2, v61  }
0x14e: {  	v16 =	vld.idx.msk [tilespmem:v16+s12+$0x0], $0xffff;
	v30 =	vadd.s32 $0x28, v5;
	v43 =	vand.u32 $0xFFFFFF80, v42;
	v44 =	vand.u32 $0x7F, v42  }
0x14f: {  	v15 =	vld.idx.msk [tilespmem:v47+s11+$0x0], $0xffff;
	v61 =	vand.u32 $0xFFFFFF80, v60;
	v63 =	vor.u32 v23, v22;
	v22 =	vadd.s32 v2, v28  }
0x150: {  	v13 =	vld.idx.msk [tilespmem:v13+s12+$0x0], $0xffff;
	v33 =	vand.u32 $0xFFFFFF80, v30;
	v34 =	vand.u32 $0x7F, v30;
	v23 =	vadd.s32 v2, v41  }
0x151: {  	v45 =	vadd.s32 v2, v43;
	v28 =	vand.u32 $0xFFFFFF80, v27;
	v41 =	vadd.s32 $0x2D, v5;
	v10 =	vld.idx.msk [tilespmem:v10+s10+$0x0], $0xffff  }
0x152: {  	v43 =	vadd.s32 $0x2D, v4;
	v31 =	vld.idx.msk [tilespmem:v17+s10+$0x0], $0xffff;
	v32 =	vor.u32 v29, v22;
	v22 =	vadd.s32 v2, v33  }
0x153: {  	v18 =	vld.idx.msk [tilespmem:v18+s11+$0x0], $0xffff;
	v23 =	vor.u32 v24, v23;
	v46 =	vor.u32 v44, v45;
	v11 =	vand.u32 $0x7FFFFFFF, v11  }
0x154: {  	v19 =	vld.idx.msk [tilespmem:v19+s12+$0x0], $0xffff;
	v24 =	vand.u32 $0x7F, v62;
	v29 =	vadd.s32 $0x2B, v3;
	v33 =	vadd.s32 $0x2C, v5  }
0x155: {  	v42 =	vand.u32 $0xFFFFFF80, v41;
	v37 =	vor.u32 v34, v22;
	v22 =	vadd.s32 v2, v38;
	v14 =	vld.idx.msk [tilespmem:v14+s10+$0x0], $0xffff  }
0x156: {  	v44 =	vand.u32 $0xFFFFFF80, v43;
	v45 =	vadd.s32 $0x2D, v3;
	v22 =	vor.u32 v39, v22;
	v36 =	vld.idx.msk [tilespmem:v20+s10+$0x0], $0xffff  }
0x157: {  	v11 =	vadd.f32 v11, v8;
	v34 =	vand.u32 $0xFFFFFF80, v33;
	v20 =	vadd.s32 v2, v28;
	v21 =	vld.idx.msk [tilespmem:v63+s11+$0x0], $0xffff  }
0x158: {  	v10 =	vadd.f32 v12, v10;
	v12 =	vadd.f32 v18, v31;
	v50 =	vld.idx.msk [tilespmem:v23+s10+$0x0], $0xffff;
	v23 =	vand.u32 $0xFFFFFF80, v62  }
0x159: {  	v17 =	vld.idx.msk [tilespmem:v32+s12+$0x0], $0xffff;
	v18 =	vand.u32 $0x7F, v25;
	v31 =	vand.u32 $0xFFFFFF80, v29;
	v32 =	vand.u32 $0x7F, v29  }
0x15a: {  	v25 =	vand.u32 $0x7F, v43;
	v48 =	vld.idx.msk [tilespmem:v37+s10+$0x0], $0xffff;
	v37 =	vadd.s32 $0x2C, v3;
	v10 =	vsub.f32 v10, v13  }
0x15b: {  	v47 =	vsub.f32 v12, v19;
	v49 =	vld.idx.msk [tilespmem:v22+s11+$0x0], $0xffff;
	v19 =	vand.u32 $0x7F, v27;
	v22 =	vand.u32 $0x7F, v35  }
0x15c: {  	v39 =	vand.u32 $0xFFFFFF80, v37;
	v40 =	vand.u32 $0x7F, v37;
	v14 =	vadd.f32 v15, v14  }
0x15d: {  	v30 =	vor.u32 v19, v20;
	v19 =	vadd.s32 v2, v31;
	v20 =	vadd.s32 v2, v34  }
0x15e: {  	v13 =	vld.idx.msk [tilespmem:v46+s11+$0x0], $0xffff;
	v15 =	vadd.f32 v21, v36;
	v10 =	vand.u32 $0x7FFFFFFF, v10;
	v8 =	vand.u32 $0x7FFFFFFF, v47  }
0x15f: {  	v19 =	vor.u32 v32, v19;
	v21 =	vand.u32 $0x7F, v33;
	v36 =	vand.u32 $0xFFFFFF80, v35  }
0x160: {  	v47 =	vand.u32 $0xFFFFFF80, v45;
	v14 =	vsub.f32 v14, v16;
	v9 =	vadd.f32 v10, v9  }
0x161: {  	v8 =	vadd.f32 v8, v7;
	v16 =	vand.u32 $0x7F, v60;
	v20 =	vor.u32 v21, v20  }
0x162: {  	v15 =	vsub.f32 v15, v17;
	v17 =	vadd.s32 v2, v61;
	v14 =	vand.u32 $0x7FFFFFFF, v14  }
0x163: {  	v12 =	vadd.f32 v49, v48;
	v10 =	vadd.f32 v13, v50;
	v13 =	vadd.s32 v2, v59  }
0x164: {  	v63 =	vor.u32 v16, v17;
	v16 =	vadd.s32 v2, v23;
	v17 =	vadd.s32 v2, v26  }
0x165: {  	v23 =	vadd.s32 v2, v36;
	v26 =	vadd.s32 v2, v44;
	v48 =	vand.u32 $0x7F, v45  }
0x166: {  	v49 =	vadd.s32 $0x2E, v5;
	v59 =	vadd.s32 $0x2F, v4;
	v45 =	vadd.s32 $0x2F, v3  }
0x167: {  	v6 =	vadd.f32 v14, v6;
	v51 =	vand.u32 $0x7FFFFFFF, v15;
	v14 =	vand.u32 $0x7F, v52  }
0x168: {  	v15 =	vand.u32 $0x7F, v58;
	v16 =	vor.u32 v24, v16;
	v17 =	vor.u32 v18, v17  }
0x169: {  	v38 =	vor.u32 v22, v23;
	v22 =	vadd.s32 v2, v39;
	v24 =	vand.u32 $0x7F, v41  }
0x16a: {  	v23 =	vadd.s32 v2, v42;
	v46 =	vor.u32 v25, v26;
	v25 =	vadd.s32 v2, v47  }
0x16b: {  	v50 =	vand.u32 $0xFFFFFF80, v49;
	v27 =	vand.u32 $0x7F, v49;
	v60 =	vand.u32 $0xFFFFFF80, v59  }
0x16c: {  	v61 =	vand.u32 $0x7F, v59;
	v47 =	vand.u32 $0xFFFFFF80, v45;
	v7 =	vadd.f32 v51, v11  }
0x16d: {  	v11 =	vadd.s32 v2, v53;
	v13 =	vor.u32 v15, v13;
	v22 =	vor.u32 v40, v22  }
0x16e: {  	v23 =	vor.u32 v24, v23;
	v25 =	vor.u32 v48, v25;
	v51 =	vadd.s32 $0x2E, v4  }
0x16f: {  	v18 =	vld.idx.msk [tilespmem:v30+s11+$0x0], $0xffff;
	v26 =	vadd.s32 v2, v50;
	v53 =	vadd.s32 $0x2E, v3;
	v62 =	vadd.s32 v2, v60  }
0x170: {  	v19 =	vld.idx.msk [tilespmem:v19+s12+$0x0], $0xffff;
	v48 =	vadd.s32 $0x30, v5;
	v50 =	vadd.s32 $0x30, v4;
	v60 =	vadd.s32 $0x31, v3  }
0x171: {  	v11 =	vor.u32 v14, v11;
	v14 =	vor.u32 v56, v57;
	v52 =	vand.u32 $0xFFFFFF80, v51;
	v20 =	vld.idx.msk [tilespmem:v20+s10+$0x0], $0xffff  }
0x172: {  	v28 =	vand.u32 $0x7F, v51;
	v26 =	vor.u32 v27, v26;
	v55 =	vand.u32 $0xFFFFFF80, v53;
	v15 =	vld.idx.msk [tilespmem:v63+s11+$0x0], $0xffff  }
0x173: {  	v56 =	vand.u32 $0x7F, v53;
	v57 =	vadd.s32 $0x2F, v5;
	v33 =	vor.u32 v61, v62;
	v17 =	vld.idx.msk [tilespmem:v17+s10+$0x0], $0xffff  }
0x174: {  	v49 =	vand.u32 $0xFFFFFF80, v48;
	v51 =	vand.u32 $0xFFFFFF80, v50;
	v29 =	vadd.s32 v2, v52;
	v21 =	vld.idx.msk [tilespmem:v38+s11+$0x0], $0xffff  }
0x175: {  	v61 =	vand.u32 $0xFFFFFF80, v60;
	v62 =	vadd.s32 $0x32, v5;
	v54 =	vor.u32 v28, v29;
	v24 =	vld.idx.msk [tilespmem:v46+s11+$0x0], $0xffff  }
0x176: {  	v58 =	vand.u32 $0xFFFFFF80, v57;
	v30 =	vand.u32 $0x7F, v57;
	v52 =	vadd.s32 $0x30, v3;
	v13 =	vld.idx.msk [tilespmem:v13+s10+$0x0], $0xffff  }
0x177: {  	v28 =	vadd.s32 v2, v55;
	v29 =	vadd.s32 v2, v58;
	v53 =	vand.u32 $0xFFFFFF80, v52;
	v23 =	vld.idx.msk [tilespmem:v23+s10+$0x0], $0xffff  }
0x178: {  	v58 =	vadd.s32 $0x31, v4;
	v28 =	vor.u32 v56, v28;
	v29 =	vor.u32 v30, v29;
	v32 =	vld.idx.msk [tilespmem:v26+s10+$0x0], $0xffff  }
0x179: {  	v59 =	vand.u32 $0xFFFFFF80, v58;
	v30 =	vadd.s32 $0x33, v4;
	v42 =	vld.idx.msk [tilespmem:v33+s11+$0x0], $0xffff;
	v26 =	vadd.s32 $0x32, v4  }
0x17a: {  	v33 =	vand.u32 $0x7F, v30;
	v27 =	vand.u32 $0xFFFFFF80, v26;
	v35 =	vld.idx.msk [tilespmem:v54+s11+$0x0], $0xffff;
	v54 =	vadd.s32 $0x31, v5  }
0x17b: {  	v16 =	vld.idx.msk [tilespmem:v16+s12+$0x0], $0xffff;
	v34 =	vadd.f32 v18, v17;
	v36 =	vadd.f32 v21, v20;
	v17 =	vand.u32 $0x7F, v52  }
0x17c: {  	v11 =	vld.idx.msk [tilespmem:v11+s12+$0x0], $0xffff;
	v18 =	vadd.s32 v2, v53;
	v56 =	vand.u32 $0xFFFFFF80, v54;
	v57 =	vand.u32 $0x7F, v54  }
0x17d: {  	v38 =	vld.idx.msk [tilespmem:v28+s12+$0x0], $0xffff;
	v20 =	vand.u32 $0x7F, v60;
	v21 =	vadd.s32 v2, v61;
	v28 =	vadd.s32 $0x33, v5  }
0x17e: {  	v14 =	vld.idx.msk [tilespmem:v14+s12+$0x0], $0xffff;
	v54 =	vadd.s32 $0x34, v3;
	v60 =	vadd.s32 $0x35, v4;
	v63 =	vadd.f32 v15, v13  }
0x17f: {  	v22 =	vld.idx.msk [tilespmem:v22+s12+$0x0], $0xffff;
	v39 =	vadd.f32 v24, v23;
	v15 =	vand.u32 $0x7F, v48;
	v55 =	vor.u32 v17, v18  }
0x180: {  	v25 =	vld.idx.msk [tilespmem:v25+s12+$0x0], $0xffff;
	v17 =	vadd.s32 v2, v56;
	v18 =	vadd.s32 v2, v59;
	v24 =	vand.u32 $0xFFFFFF80, v62  }
0x181: {  	v40 =	vld.idx.msk [tilespmem:v29+s10+$0x0], $0xffff;
	v29 =	vand.u32 $0xFFFFFF80, v28;
	v23 =	vand.u32 $0x7F, v28;
	v56 =	vand.u32 $0x7F, v54  }
0x182: {  	v61 =	vand.u32 $0xFFFFFF80, v60;
	v28 =	vadd.s32 $0x36, v5;
	v11 =	vsub.f32 v12, v11  }
0x183: {  	v10 =	vsub.f32 v10, v14;
	v37 =	vsub.f32 v34, v19;
	v14 =	vadd.s32 v2, v47  }
0x184: {  	v17 =	vor.u32 v57, v17;
	v19 =	vand.u32 $0x7F, v58;
	v34 =	vadd.s32 $0x34, v5  }
0x185: {  	v58 =	vadd.s32 $0x35, v5;
	v12 =	vsub.f32 v63, v16;
	v16 =	vsub.f32 v36, v22  }
0x186: {  	v44 =	vsub.f32 v39, v25;
	v18 =	vor.u32 v19, v18;
	v63 =	vor.u32 v20, v21  }
0x187: {  	v25 =	vand.u32 $0x7F, v62;
	v20 =	vadd.s32 v2, v24;
	v22 =	vand.u32 $0x7F, v26  }
0x188: {  	v21 =	vadd.s32 v2, v27;
	v24 =	vadd.s32 v2, v29;
	v36 =	vadd.s32 $0x34, v4  }
0x189: {  	v59 =	vand.u32 $0xFFFFFF80, v58;
	v62 =	vadd.s32 $0x35, v3;
	v29 =	vand.u32 $0xFFFFFF80, v28  }
0x18a: {  	v11 =	vand.u32 $0x7FFFFFFF, v11;
	v10 =	vand.u32 $0x7FFFFFFF, v10;
	v41 =	vand.u32 $0x7FFFFFFF, v37  }
0x18b: {  	v13 =	vadd.f32 v35, v32;
	v20 =	vor.u32 v25, v20;
	v21 =	vor.u32 v22, v21  }
0x18c: {  	v31 =	vor.u32 v23, v24;
	v32 =	vand.u32 $0xFFFFFF80, v30;
	v35 =	vand.u32 $0xFFFFFF80, v34  }
0x18d: {  	v25 =	vand.u32 $0x7F, v34;
	v37 =	vand.u32 $0xFFFFFF80, v36;
	v26 =	vand.u32 $0xFFFFFF80, v62  }
0x18e: {  	v27 =	vand.u32 $0x7F, v62;
	v30 =	vadd.s32 $0x36, v4;
	v22 =	vand.u32 $0x7F, v28  }
0x18f: {  	v9 =	vadd.f32 v11, v9;
	v12 =	vand.u32 $0x7FFFFFFF, v12;
	v10 =	vadd.f32 v10, v6  }
0x190: {  	v43 =	vand.u32 $0x7FFFFFFF, v16;
	v7 =	vadd.f32 v41, v7;
	v46 =	vand.u32 $0x7FFFFFFF, v44  }
0x191: {  	v11 =	vadd.f32 v42, v40;
	v16 =	vand.u32 $0x7F, v50;
	v23 =	vadd.s32 v2, v32  }
0x192: {  	v24 =	vadd.s32 v2, v35;
	v39 =	vadd.s32 v2, v37;
	v44 =	vadd.s32 $0x32, v3  }
0x193: {  	v32 =	vadd.s32 $0x36, v3;
	v8 =	vadd.f32 v12, v8;
	v13 =	vsub.f32 v13, v38  }
0x194: {  	v23 =	vor.u32 v33, v23;
	v24 =	vor.u32 v25, v24;
	v38 =	vand.u32 $0x7F, v36  }
0x195: {  	v47 =	vand.u32 $0xFFFFFF80, v44;
	v34 =	vand.u32 $0xFFFFFF80, v32;
	v35 =	vand.u32 $0x7F, v32  }
0x196: {  	v36 =	vadd.s32 $0x37, v5;
	v6 =	vadd.f32 v43, v9;
	v9 =	vand.u32 $0x7F, v45  }
0x197: {  	v17 =	vld.idx.msk [tilespmem:v17+s10+$0x0], $0xffff;
	v41 =	vor.u32 v38, v39;
	v10 =	vadd.f32 v46, v10;
	v37 =	vand.u32 $0xFFFFFF80, v36  }
0x198: {  	v38 =	vadd.s32 $0x37, v4;
	v25 =	vand.u32 $0x7F, v36;
	v9 =	vor.u32 v9, v14;
	v18 =	vld.idx.msk [tilespmem:v18+s11+$0x0], $0xffff  }
0x199: {  	v14 =	vadd.s32 v2, v49;
	v19 =	vld.idx.msk [tilespmem:v63+s12+$0x0], $0xffff;
	v13 =	vand.u32 $0x7FFFFFFF, v13;
	v49 =	vadd.s32 v2, v47  }
0x19a: {  	v39 =	vand.u32 $0xFFFFFF80, v38;
	v14 =	vor.u32 v15, v14;
	v15 =	vadd.s32 v2, v51;
	v40 =	vld.idx.msk [tilespmem:v20+s10+$0x0], $0xffff  }
0x19b: {  	v8 =	vadd.f32 v13, v8;
	v42 =	vld.idx.msk [tilespmem:v21+s11+$0x0], $0xffff;
	v51 =	vadd.s32 $0x33, v3;
	v20 =	vand.u32 $0x7F, v60  }
0x19c: {  	v45 =	vld.idx.msk [tilespmem:v31+s10+$0x0], $0xffff;
	v21 =	vadd.s32 v2, v61;
	v31 =	vand.u32 $0xFFFFFF80, v30;
	v15 =	vor.u32 v16, v15  }
0x19d: {  	v16 =	vld.idx.msk [tilespmem:v55+s12+$0x0], $0xffff;
	v53 =	vand.u32 $0xFFFFFF80, v51;
	v55 =	vand.u32 $0xFFFFFF80, v54;
	v63 =	vor.u32 v20, v21  }
0x19e: {  	v20 =	vadd.s32 v2, v26;
	v21 =	vadd.s32 v2, v29;
	v26 =	vand.u32 $0x7F, v38;
	v48 =	vld.idx.msk [tilespmem:v23+s11+$0x0], $0xffff  }
0x19f: {  	v54 =	vadd.s32 $0x39, v4;
	v50 =	vld.idx.msk [tilespmem:v24+s10+$0x0], $0xffff;
	v12 =	vadd.s32 v2, v53;
	v57 =	vadd.s32 v2, v55  }
0x1a0: {  	v20 =	vor.u32 v27, v20;
	v23 =	vand.u32 $0x7F, v30;
	v27 =	vadd.s32 v2, v39;
	v52 =	vld.idx.msk [tilespmem:v41+s11+$0x0], $0xffff  }
0x1a1: {  	v24 =	vadd.s32 v2, v31;
	v21 =	vor.u32 v22, v21;
	v41 =	vor.u32 v26, v27;
	v9 =	vld.idx.msk [tilespmem:v9+s12+$0x0], $0xffff  }
0x1a2: {  	v55 =	vand.u32 $0xFFFFFF80, v54;
	v39 =	vadd.s32 $0x3A, v5;
	v33 =	vor.u32 v23, v24  }
0x1a3: {  	v23 =	vadd.s32 v2, v34;
	v24 =	vadd.s32 v2, v37;
	v37 =	vadd.s32 $0x39, v3;
	v14 =	vld.idx.msk [tilespmem:v14+s10+$0x0], $0xffff  }
0x1a4: {  	v46 =	vadd.f32 v18, v17;
	v18 =	vand.u32 $0x7F, v58;
	v23 =	vor.u32 v35, v23;
	v15 =	vld.idx.msk [tilespmem:v15+s11+$0x0], $0xffff  }
0x1a5: {  	v24 =	vor.u32 v25, v24;
	v38 =	vand.u32 $0xFFFFFF80, v37;
	v17 =	vadd.f32 v52, v50  }
0x1a6: {  	v52 =	vadd.s32 $0x39, v5;
	v25 =	vld.idx.msk [tilespmem:v41+s11+$0x0], $0xffff;
	v41 =	vand.u32 $0x7F, v39;
	v9 =	vsub.f32 v11, v9  }
0x1a7: {  	v11 =	vadd.f32 v42, v40;
	v40 =	vadd.s32 $0x37, v3;
	v53 =	vand.u32 $0xFFFFFF80, v52  }
0x1a8: {  	v31 =	vand.u32 $0x7F, v52;
	v52 =	vadd.s32 $0x3B, v3;
	v42 =	vand.u32 $0xFFFFFF80, v40  }
0x1a9: {  	v9 =	vand.u32 $0x7FFFFFFF, v9;
	v43 =	vadd.f32 v15, v14;
	v14 =	vand.u32 $0x7F, v44  }
0x1aa: {  	v15 =	vadd.f32 v48, v45;
	v26 =	vadd.s32 v2, v42;
	v44 =	vadd.s32 $0x38, v5  }
0x1ab: {  	v21 =	vld.idx.msk [tilespmem:v21+s10+$0x0], $0xffff;
	v48 =	vadd.s32 $0x38, v3;
	v42 =	vadd.s32 $0x3A, v4;
	v7 =	vadd.f32 v9, v7  }
0x1ac: {  	v22 =	vld.idx.msk [tilespmem:v33+s11+$0x0], $0xffff;
	v9 =	vsub.f32 v46, v19;
	v14 =	vor.u32 v14, v49;
	v19 =	vadd.s32 v2, v59  }
0x1ad: {  	v45 =	vand.u32 $0xFFFFFF80, v44;
	v46 =	vadd.s32 $0x38, v4;
	v28 =	vand.u32 $0x7F, v44  }
0x1ae: {  	v50 =	vand.u32 $0xFFFFFF80, v48;
	v44 =	vadd.s32 $0x3A, v3;
	v13 =	vsub.f32 v43, v16  }
0x1af: {  	v16 =	vand.u32 $0x7F, v51;
	v18 =	vor.u32 v18, v19;
	v43 =	vand.u32 $0x7F, v40  }
0x1b0: {  	v24 =	vld.idx.msk [tilespmem:v24+s10+$0x0], $0xffff;
	v27 =	vadd.s32 v2, v45;
	v47 =	vand.u32 $0xFFFFFF80, v46;
	v29 =	vand.u32 $0x7F, v46  }
0x1b1: {  	v51 =	vand.u32 $0x7F, v48;
	v34 =	vadd.f32 v22, v21;
	v40 =	vand.u32 $0xFFFFFF80, v39  }
0x1b2: {  	v45 =	vand.u32 $0xFFFFFF80, v44;
	v46 =	vadd.s32 $0x3B, v5;
	v22 =	vand.u32 $0x7F, v52  }
0x1b3: {  	v12 =	vor.u32 v16, v12;
	v16 =	vor.u32 v56, v57;
	v26 =	vor.u32 v43, v26  }
0x1b4: {  	v23 =	vld.idx.msk [tilespmem:v23+s12+$0x0], $0xffff;
	v30 =	vadd.s32 v2, v47;
	v27 =	vor.u32 v28, v27;
	v56 =	vand.u32 $0x7F, v54  }
0x1b5: {  	v19 =	vld.idx.msk [tilespmem:v63+s11+$0x0], $0xffff;
	v57 =	vadd.s32 v2, v55;
	v9 =	vand.u32 $0x7FFFFFFF, v9;
	v36 =	vadd.f32 v25, v24  }
0x1b6: {  	v43 =	vand.u32 $0xFFFFFF80, v42;
	v48 =	vand.u32 $0xFFFFFF80, v46;
	v54 =	vadd.s32 $0x3C, v5;
	v14 =	vld.idx.msk [tilespmem:v14+s12+$0x0], $0xffff  }
0x1b7: {  	v49 =	vor.u32 v29, v30;
	v29 =	vadd.s32 v2, v50;
	v30 =	vadd.s32 v2, v53;
	v18 =	vld.idx.msk [tilespmem:v18+s10+$0x0], $0xffff  }
0x1b8: {  	v13 =	vand.u32 $0x7FFFFFFF, v13;
	v59 =	vor.u32 v56, v57;
	v50 =	vadd.s32 $0x3B, v4;
	v12 =	vld.idx.msk [tilespmem:v12+s12+$0x0], $0xffff  }
0x1b9: {  	v53 =	vand.u32 $0xFFFFFF80, v52;
	v56 =	vand.u32 $0xFFFFFF80, v54;
	v57 =	vand.u32 $0x7F, v54;
	v16 =	vld.idx.msk [tilespmem:v16+s12+$0x0], $0xffff  }
0x1ba: {  	v29 =	vor.u32 v51, v29;
	v30 =	vor.u32 v31, v30;
	v13 =	vadd.f32 v13, v6;
	v63 =	vld.idx.msk [tilespmem:v26+s12+$0x0], $0xffff  }
0x1bb: {  	v6 =	vadd.f32 v9, v10;
	v51 =	vand.u32 $0xFFFFFF80, v50;
	v21 =	vand.u32 $0x7F, v50;
	v58 =	vld.idx.msk [tilespmem:v27+s10+$0x0], $0xffff  }
0x1bc: {  	v61 =	vld.idx.msk [tilespmem:v49+s11+$0x0], $0xffff;
	v49 =	vand.u32 $0x7F, v46;
	v11 =	vsub.f32 v11, v14;
	v33 =	vadd.f32 v19, v18  }
0x1bd: {  	v18 =	vand.u32 $0x7F, v42;
	v19 =	vand.u32 $0x7F, v44;
	v12 =	vsub.f32 v15, v12  }
0x1be: {  	v60 =	vsub.f32 v17, v16;
	v62 =	vand.u32 $0x7FFFFFFF, v11;
	v15 =	vsub.f32 v34, v23  }
0x1bf: {  	v35 =	vld.idx.msk [tilespmem:v59+s11+$0x0], $0xffff;
	v10 =	vsub.f32 v36, v63;
	v16 =	vand.u32 $0x7F, v37;
	v17 =	vadd.s32 v2, v43  }
0x1c0: {  	v32 =	vld.idx.msk [tilespmem:v30+s10+$0x0], $0xffff;
	v23 =	vadd.s32 v2, v53;
	v37 =	vadd.s32 $0x3E, v5;
	v43 =	vadd.s32 $0x3E, v3  }
0x1c1: {  	v9 =	vadd.f32 v62, v8;
	v14 =	vadd.f32 v61, v58;
	v17 =	vor.u32 v18, v17  }
0x1c2: {  	v20 =	vld.idx.msk [tilespmem:v20+s12+$0x0], $0xffff;
	v55 =	vor.u32 v22, v23;
	v22 =	vadd.s32 v2, v56;
	v58 =	vadd.s32 $0x3C, v4  }
0x1c3: {  	v31 =	vld.idx.msk [tilespmem:v29+s12+$0x0], $0xffff;
	v62 =	vadd.s32 $0x3D, v5;
	v39 =	vand.u32 $0xFFFFFF80, v37;
	v5 =	vadd.s32 $0x3F, v5  }
0x1c4: {  	v44 =	vand.u32 $0xFFFFFF80, v43;
	v26 =	vand.u32 $0x7FFFFFFF, v12;
	v28 =	vand.u32 $0x7FFFFFFF, v60  }
0x1c5: {  	v11 =	vadd.f32 v35, v32;
	v22 =	vor.u32 v57, v22;
	v59 =	vand.u32 $0xFFFFFF80, v58  }
0x1c6: {  	v60 =	vadd.s32 $0x3C, v3;
	v24 =	vand.u32 $0x7F, v58;
	v32 =	vand.u32 $0x7F, v62  }
0x1c7: {  	v35 =	vadd.s32 $0x3D, v3;
	v7 =	vadd.f32 v26, v7;
	v8 =	vadd.f32 v28, v13  }
0x1c8: {  	v3 =	vadd.s32 $0x3F, v3;
	v13 =	vsub.f32 v33, v20;
	v12 =	vsub.f32 v14, v31  }
0x1c9: {  	v14 =	vadd.s32 v2, v38;
	v20 =	vadd.s32 v2, v45;
	v23 =	vadd.s32 v2, v59  }
0x1ca: {  	v61 =	vand.u32 $0xFFFFFF80, v60;
	v25 =	vand.u32 $0x7F, v60;
	v31 =	vand.u32 $0xFFFFFF80, v62  }
0x1cb: {  	v33 =	vadd.s32 $0x3D, v4;
	v36 =	vand.u32 $0xFFFFFF80, v35;
	v14 =	vor.u32 v16, v14  }
0x1cc: {  	v28 =	vand.u32 $0x7F, v35;
	v45 =	vand.u32 $0xFFFFFF80, v5;
	v47 =	vor.u32 v19, v20  }
0x1cd: {  	v16 =	vadd.s32 v2, v40;
	v20 =	vadd.s32 v2, v51;
	v23 =	vor.u32 v24, v23;
	v17 =	vld.idx.msk [tilespmem:v17+s11+$0x0], $0xffff  }
0x1ce: {  	v19 =	vadd.s32 v2, v48;
	v16 =	vor.u32 v41, v16;
	v20 =	vor.u32 v21, v20;
	v21 =	vld.idx.msk [tilespmem:v55+s12+$0x0], $0xffff  }
0x1cf: {  	v5 =	vand.u32 $0x7F, v5;
	v26 =	vadd.s32 v2, v61;
	v19 =	vor.u32 v49, v19;
	v22 =	vld.idx.msk [tilespmem:v22+s10+$0x0], $0xffff  }
0x1d0: {  	v34 =	vand.u32 $0xFFFFFF80, v33;
	v27 =	vand.u32 $0x7F, v33;
	v29 =	vadd.s32 v2, v36;
	v14 =	vld.idx.msk [tilespmem:v14+s12+$0x0], $0xffff  }
0x1d1: {  	v40 =	vand.u32 $0x7F, v37;
	v63 =	vor.u32 v25, v26;
	v25 =	vadd.s32 v2, v31;
	v18 =	vld.idx.msk [tilespmem:v47+s12+$0x0], $0xffff  }
0x1d2: {  	v26 =	vadd.s32 v2, v34;
	v38 =	vor.u32 v28, v29;
	v28 =	vadd.s32 v2, v39;
	v23 =	vld.idx.msk [tilespmem:v23+s11+$0x0], $0xffff  }
0x1d3: {  	v41 =	vadd.s32 $0x3E, v4;
	v4 =	vadd.s32 $0x3F, v4;
	v25 =	vor.u32 v32, v25;
	v16 =	vld.idx.msk [tilespmem:v16+s10+$0x0], $0xffff  }
0x1d4: {  	v31 =	vand.u32 $0x7F, v43;
	v26 =	vor.u32 v27, v26;
	v28 =	vor.u32 v40, v28;
	v19 =	vld.idx.msk [tilespmem:v19+s10+$0x0], $0xffff  }
0x1d5: {  	v42 =	vand.u32 $0xFFFFFF80, v41;
	v30 =	vand.u32 $0x7F, v41;
	v32 =	vadd.s32 v2, v45;
	v20 =	vld.idx.msk [tilespmem:v20+s11+$0x0], $0xffff  }
0x1d6: {  	v46 =	vand.u32 $0xFFFFFF80, v4;
	v29 =	vadd.s32 v2, v42;
	v5 =	vor.u32 v5, v32;
	v24 =	vld.idx.msk [tilespmem:v63+s12+$0x0], $0xffff  }
0x1d7: {  	v4 =	vand.u32 $0x7F, v4;
	v32 =	vadd.s32 v2, v46;
	v29 =	vor.u32 v30, v29;
	v27 =	vld.idx.msk [tilespmem:v38+s12+$0x0], $0xffff  }
0x1d8: {  	v30 =	vadd.s32 v2, v44;
	v4 =	vor.u32 v4, v32;
	v47 =	vand.u32 $0xFFFFFF80, v3;
	v25 =	vld.idx.msk [tilespmem:v25+s10+$0x0], $0xffff  }
0x1d9: {  	v30 =	vor.u32 v31, v30;
	v3 =	vand.u32 $0x7F, v3;
	v2 =	vadd.s32 v2, v47;
	v26 =	vld.idx.msk [tilespmem:v26+s11+$0x0], $0xffff  }
0x1da: {  	v48 =	vand.u32 $0x7FFFFFFF, v15;
	v2 =	vor.u32 v3, v2;
	v49 =	vld.idx.msk [tilespmem:v28+s10+$0x0], $0xffff  }
0x1db: {  	v10 =	vand.u32 $0x7FFFFFFF, v10;
	v50 =	vadd.f32 v48, v9;
	v12 =	vand.u32 $0x7FFFFFFF, v12;
	v5 =	vld.idx.msk [tilespmem:v5+s10+$0x0], $0xffff  }
0x1dc: {  	v7 =	vadd.f32 v10, v7;
	v8 =	vadd.f32 v12, v8;
	v3 =	vand.u32 $0x7FFFFFFF, v13;
	v51 =	vld.idx.msk [tilespmem:v29+s11+$0x0], $0xffff  }
0x1dd: {  	v3 =	vadd.f32 v3, v6;
	v4 =	vld.idx.msk [tilespmem:v4+s11+$0x0], $0xffff;
	v11 =	vsub.f32 v11, v14  }
0x1de: {  	v54 =	vld.idx.msk [tilespmem:v30+s12+$0x0], $0xffff;
	v55 =	vadd.f32 v23, v22;
	v52 =	vadd.f32 v17, v16  }
0x1df: {  	v53 =	vadd.f32 v20, v19;
	v11 =	vand.u32 $0x7FFFFFFF, v11;
	v2 =	vld.idx.msk [tilespmem:v2+s12+$0x0], $0xffff;
	v56 =	vadd.f32 v26, v25  }
0x1e0: {  	v3 =	vadd.f32 v11, v3;
	v10 =	vsub.f32 v52, v18  }
0x1e1: {  	v12 =	vsub.f32 v53, v21;
	v11 =	vsub.f32 v55, v24  }
0x1e2: {  	v9 =	vadd.f32 v51, v49;
	v4 =	vadd.f32 v4, v5;
	v57 =	vand.u32 $0x7FFFFFFF, v10  }
0x1e3: {  	v59 =	vsub.f32 v56, v27;
	v58 =	vand.u32 $0x7FFFFFFF, v12;
	v5 =	vadd.f32 v57, v50  }
0x1e4: {  	v11 =	vand.u32 $0x7FFFFFFF, v11;
	v9 =	vsub.f32 v9, v54;
	v2 =	vsub.f32 v4, v2  }
0x1e5: {  	v60 =	vadd.f32 v58, v7;
	v61 =	vadd.f32 v11, v8;
	v62 =	vand.u32 $0x7FFFFFFF, v59  }
0x1e6: {  	v3 =	vadd.f32 v62, v3;
	v63 =	vand.u32 $0x7FFFFFFF, v9;
	v2 =	vand.u32 $0x7FFFFFFF, v2  }
0x1e7: {  	v5 =	vadd.f32 v63, v5;
	v2 =	vadd.f32 v2, v60;
	_ =	sdelay $0x1  }
0x1e8: {  	v3 =	vadd.f32 v3, v61;
	v2 =	vadd.f32 v2, v5  }
0x1e9: {  	p1 =	sne.s32 s21, $0xF0  }
.Ltmp1:
0x1ea: {  	v2 =	vadd.f32 v2, v3;
	(pc) =	sbr.rel @p1 .LBB2_5-.Ltmp1, $4  }
0x1eb: {  	_ = 	snop  }
0x1ec: {  	s23 =	sadd.s32 s23, s20;
	v2 =	vsub.f32 $1.200000000e+01, v2  }
0x1ed: {  	s22 =	sadd.s32 s22, s23  }
0x1ee: {  	s21 =	sadd.s32 $0x10, s21;
	[tilespmem:s22+$0x0] =	vst v2  }
.Ltmp2:
0x1ef: {  	(pc) =	sbr.rel @p0 .LBB2_4-.Ltmp2, $2  }
0x1f0: {  	_ =	sdelay $0x2  }
0x1f1: {  	s19 =	simm.s32 $0x1;
	p1 =	por $0x0, $0x0  }
0x1f2: {  	s18 =	sadd.s32 $0x1, s18  }
0x1f3: {  	p0 =	sne.s32 s18, s7  }
.Ltmp3:
0x1f4: {  	_ = 	snop;
	(pc) =	sbr.rel @p0 .LBB2_1-.Ltmp3, $4  }
0x1f5: {  	[hbm4b:s6+s4] =	stream.linear.scatter [tilespmem:s17], [sflag:$0x2], $0x200, $0x38;
	[tilespmem:$0x19600] =	vst v63  }
0x1f6: {  	_ =	swait.ge [sflag:s8], $0x200  }
0x1f7: {  	[sflag:s8] =	ssyncset.done $0x0  }
0x1f8: {  	[sflag:s8] =	ssyncadd.s32 $0xFFFFFE00  }
0x1f9: {  	_ =	sfence.sel $0x180000  }
0x1fa: {  	[bflag:$0x0] =	sbarrier.arrive $0xFFFF  }
0x1fb: {  	p0 =	sne.s32 s3, $0x0;
	_ =	strace $0x90000047  }
0x1fc: {  	s0 =	sadd.s32 @!p0 $0x100000, s0;
	[bflag:$0x2] =	sbarrier.arrive $0xFFFF  }
0x1fd: {  	[sflag:s0] =	ssyncadd.tile.s32 @!p0 $0x1;
	_ =	shalt  }
.Lfunc_end2:
_tile_overlayer_lowered:
.L_overlay_start_2:
0x1fe: {  	(tag) =	ssettag $0x2  }
0x1ff: {  	s0 =	rddreg [dreg:$0x0];
	s2 =	stileid.u32  }
0x200: {  	s1 =	rddreg [dreg:$0x1];
	p0 =	sne.s32 s2, $0x0  }
0x201: {  	s3 =	rddreg [dreg:$0x2];
	[bflag:$0x3] =	sbarrier.arrive $0xFFFF;
	s2 =	simm.s32 @!p0 $0x1C02  }
0x202: {  	[timem:s3], [sflag:s2] =	dma.local @!p0 [hbm:s0], s1  }
0x203: {  	s0 =	simm.s32 @!p0 $0x2  }
0x204: {  	_ =	swait.ge @!p0 [sflag:s0], s1  }
0x205: {  	s1 =	ssub.s32 @!p0 $0x0, s1;
	[sflag:s0] =	ssyncset.done @!p0 $0x0  }
0x206: {  	[sflag:s0] =	ssyncadd.s32 @!p0 s1  }
0x207: {  	[bflag:$0x3] =	sbarrier.arrive $0xFFFF  }
0x208: {  	_ =	shalt  }

</sc_bundles>
